<compile_context>
chip_gen: v7x
topology: tpu7x:2x2x1
jax: 0.10.2.dev20260603
libtpu: 0.0.44.dev20260713+nightly
codegen_flags: <defaults>
</compile_context>

<pallas_src>
import functools

import jax
import jax.numpy as jnp
from jax import lax
from jax.experimental import pallas as pl
from jax.experimental.pallas import tpu as pltpu
from jax.experimental.pallas import tpu_sc as plsc

_N = 10000
_E = 320000
_D = 128
_NP = 10240
_NW = 32
_CH = 128
_EPW = 10240
_NCHUNK = _EPW // _CH
_EP = _EPW * _NW
_RPS = _NP // 16
_HD = _D // 2
_KPS = (_EP // _CH) // 16

_mesh = plsc.VectorSubcoreMesh(core_axis_name="c", subcore_axis_name="s")


@functools.partial(
    pl.kernel,
    out_type=jax.ShapeDtypeStruct((2, _NP), jnp.float32),
    mesh=_mesh,
    scratch_types=[
        pltpu.VMEM((_NCHUNK, _CH), jnp.int32),
        pltpu.VMEM((_CH,), jnp.float32),
        pltpu.VMEM((_RPS,), jnp.float32),
        pltpu.VMEM_SHARED((_NP,), jnp.float32),
    ],
)
def _deg_call(dst_hbm, out_hbm, didx_v, ones_v, zeros_v, deg_sh):
    c = lax.axis_index("c")
    s = lax.axis_index("s")
    wid = s * 2 + c

    def fill_ones(i, carry):
        ones_v[pl.ds(i * 16, 16)] = jnp.full((16,), 1.0, jnp.float32)
        return carry

    lax.fori_loop(0, _CH // 16, fill_ones, 0)

    def fill_zeros(i, carry):
        zeros_v[pl.ds(i * 16, 16)] = jnp.zeros((16,), jnp.float32)
        return carry

    lax.fori_loop(0, _RPS // 16, fill_zeros, 0)

    pltpu.sync_copy(zeros_v, deg_sh.at[pl.ds(s * _RPS, _RPS)])
    pltpu.sync_copy(dst_hbm.at[pl.ds(wid * _NCHUNK, _NCHUNK)], didx_v)
    plsc.subcore_barrier()

    def body(i, carry):
        pltpu.sync_copy(ones_v, deg_sh.at[didx_v.at[i]], add=True)
        return carry

    lax.fori_loop(0, _NCHUNK, body, 0)
    plsc.subcore_barrier()
    pltpu.sync_copy(
        deg_sh.at[pl.ds(s * _RPS, _RPS)],
        out_hbm.at[c, pl.ds(s * _RPS, _RPS)],
    )


@functools.partial(
    pl.kernel,
    out_type=jax.ShapeDtypeStruct((2, _NP, _HD), jnp.float32),
    mesh=_mesh,
    compiler_params=pltpu.CompilerParams(use_tc_tiling_on_sc=False),
    scratch_types=[
        pltpu.VMEM((_KPS * _CH,), jnp.int32),
        pltpu.VMEM((_CH,), jnp.int32),
        pltpu.VMEM((_CH, _HD), jnp.float32),
        pltpu.VMEM((_CH, _HD), jnp.float32),
        pltpu.SemaphoreType.DMA,
        pltpu.VMEM_SHARED((_NP, _HD), jnp.float32),
        pltpu.VMEM_SHARED((_NP, _HD), jnp.float32),
    ],
)
def _agg_call(hv_hbm, src_hbm, dst_hbm, out_hbm,
              sidx_v, didx_v, rows0_v, rows1_v, gsem, agg_sh, tab_sh):
    c = lax.axis_index("c")
    s = lax.axis_index("s")
    rows = (rows0_v, rows1_v)
    rs = s * _RPS

    def zrow(r, carry):
        for j in range(_HD // 16):
            rows0_v[r, pl.ds(j * 16, 16)] = jnp.zeros((16,), jnp.float32)
        return carry

    lax.fori_loop(0, _CH, zrow, 0)
    for k in range(_RPS // _CH):
        pltpu.sync_copy(rows0_v, agg_sh.at[pl.ds(rs + k * _CH, _CH)])

    def fill_idx(i, carry):
        sidx_v[pl.ds(i * 16, 16)] = (
            2 * (rs + i * 16) + c + 2 * lax.iota(jnp.int32, 16))
        return carry

    lax.fori_loop(0, _RPS // 16, fill_idx, 0)
    for k in range(_RPS // _CH):
        pltpu.async_copy(
            hv_hbm.at[sidx_v.at[pl.ds(k * _CH, _CH)]], rows1_v, gsem)
        pltpu.make_async_copy(
            hv_hbm.at[sidx_v.at[pl.ds(k * _CH, _CH)]], rows1_v, gsem).wait()
        pltpu.sync_copy(rows1_v, tab_sh.at[pl.ds(rs + k * _CH, _CH)])
    plsc.subcore_barrier()

    base = s * _KPS
    pltpu.sync_copy(src_hbm.at[pl.ds(base * _CH, _KPS * _CH)], sidx_v)

    def sidx(i):
        return sidx_v.at[pl.ds(pl.multiple_of(i * _CH, _CH), _CH)]

    def gather_start(i, buf):
        pltpu.async_copy(tab_sh.at[sidx(i)], buf, gsem)

    def gather_wait(i, buf):
        pltpu.make_async_copy(tab_sh.at[sidx(i)], buf, gsem).wait()

    def scatter(i, buf):
        doff = pl.multiple_of((base + i) * _CH, _CH)
        pltpu.sync_copy(dst_hbm.at[pl.ds(doff, _CH)], didx_v)
        pltpu.sync_copy(buf, agg_sh.at[didx_v], add=True)

    gather_start(0, rows[0])

    def body(p, carry):
        for b in range(2):
            i = 2 * p + b
            gather_wait(i, rows[b])
            gather_start(i + 1, rows[1 - b])
            scatter(i, rows[b])
        return carry

    lax.fori_loop(0, _KPS // 2 - 1, body, 0)

    i = _KPS - 2
    gather_wait(i, rows[0])
    gather_start(i + 1, rows[1])
    scatter(i, rows[0])
    gather_wait(i + 1, rows[1])
    scatter(i + 1, rows[1])

    plsc.subcore_barrier()
    pltpu.sync_copy(agg_sh.at[pl.ds(rs, _RPS)],
                    out_hbm.at[c, pl.ds(rs, _RPS)])


_BLK = 1024
_GRID = _NP // _BLK


def _prep_body(x_ref, dv_ref, w_ref, o_ref):
    o_ref[...] = jnp.dot(
        x_ref[...] * dv_ref[...], w_ref[...],
        preferred_element_type=jnp.float32,
        precision=jax.lax.Precision.HIGHEST,
    )


_prep_call = pl.pallas_call(
    _prep_body,
    grid=(_GRID,),
    in_specs=[
        pl.BlockSpec((_BLK, _D), lambda i: (i, 0)),
        pl.BlockSpec((_BLK, _D), lambda i: (i, 0)),
        pl.BlockSpec((_D, _D), lambda i: (0, 0)),
    ],
    out_specs=pl.BlockSpec((_BLK, _D), lambda i: (i, 0)),
    out_shape=jax.ShapeDtypeStruct((_NP, _D), jnp.float32),
)


def _post1_body(p_ref, dv_ref, w_ref, h_ref, g_ref):
    dv = dv_ref[...]
    h = jnp.maximum(p_ref[...] * dv, 0.0)
    h_ref[...] = h
    g_ref[...] = jnp.dot(
        h * dv, w_ref[...],
        preferred_element_type=jnp.float32,
        precision=jax.lax.Precision.HIGHEST,
    )


_post1_call = pl.pallas_call(
    _post1_body,
    grid=(_GRID,),
    in_specs=[
        pl.BlockSpec((_BLK, _D), lambda i: (i, 0)),
        pl.BlockSpec((_BLK, _D), lambda i: (i, 0)),
        pl.BlockSpec((_D, _D), lambda i: (0, 0)),
    ],
    out_specs=[
        pl.BlockSpec((_BLK, _D), lambda i: (i, 0)),
        pl.BlockSpec((_BLK, _D), lambda i: (i, 0)),
    ],
    out_shape=[
        jax.ShapeDtypeStruct((_NP, _D), jnp.float32),
        jax.ShapeDtypeStruct((_NP, _D), jnp.float32),
    ],
)


def _post2_body(p_ref, dv_ref, h_ref):
    h_ref[...] = jnp.maximum(p_ref[...] * dv_ref[...], 0.0)


_post2_call = pl.pallas_call(
    _post2_body,
    grid=(_GRID,),
    in_specs=[
        pl.BlockSpec((_BLK, _D), lambda i: (i, 0)),
        pl.BlockSpec((_BLK, _D), lambda i: (i, 0)),
    ],
    out_specs=pl.BlockSpec((_BLK, _D), lambda i: (i, 0)),
    out_shape=jax.ShapeDtypeStruct((_NP, _D), jnp.float32),
)


def kernel(x, edge_index, W1, W2):
    src = edge_index[0]
    dst = edge_index[1]

    x_p = jnp.zeros((_NP, _D), jnp.float32).at[:_N].set(x)
    pad = jnp.full((_EP - _E,), _NP - 1, jnp.int32)
    src_p = jnp.concatenate([src, pad])
    dst_p = jnp.concatenate([dst, pad])
    dst_2d = dst_p.reshape(_EP // _CH, _CH)

    degp = _deg_call(dst_2d)
    dinv = jax.lax.rsqrt(jnp.maximum(degp[0] + degp[1], 1.0))
    dinv_mat = jnp.broadcast_to(dinv[:, None], (_NP, _D))

    def unshuffle(Ph):
        return Ph.transpose(1, 0, 2).reshape(_NP, _D)

    g1 = _prep_call(x_p, dinv_mat, W1)
    P1 = unshuffle(_agg_call(g1.reshape(2 * _NP, _HD), src_p, dst_p))
    h1, g2 = _post1_call(P1, dinv_mat, W2)
    P2 = unshuffle(_agg_call(g2.reshape(2 * _NP, _HD), src_p, dst_p))
    h2 = _post2_call(P2, dinv_mat)

    return jnp.stack([x, h1[:_N], h2[:_N]], axis=0)

# --- scband reference (transcript-rebuilt; emitter-appended) ---
"""Pipeline reference for scband-lr-gae-69982197121341 (READ-ONLY COPY).

The authoritative reference and input builder live on the scoring server;
editing this copy changes nothing except your own understanding.
"""

import jax, jax.numpy as jnp
import numpy as np

N = 10000
E = 320000
D = 128


def setup_inputs(seed: int = 0) -> dict:
    key = jax.random.key(seed)
    k1, k2, k3, k4 = jax.random.split(key, 4)
    x = jax.random.normal(k1, (N, D), dtype=jnp.float32)
    edge_index = jax.random.randint(k2, (2, E), 0, N, dtype=jnp.int32)
    # GCN encoder weights (2 layers, 128 -> 128 -> 128), xavier-ish scale
    W1 = jax.random.normal(k3, (D, D), dtype=jnp.float32) * (1.0 / np.sqrt(D))
    W2 = jax.random.normal(k4, (D, D), dtype=jnp.float32) * (1.0 / np.sqrt(D))
    return {"x": x, "edge_index": edge_index, "W1": W1, "W2": W2}


def reference(x, edge_index, W1, W2):
    # lrGAE.forward(x, edge_index) = encoder(x, edge_index)
    # Encoder is a 2-layer GCN that returns the list of per-layer embeddings
    # [x, h1, h2] (indexable by self.left / self.right). We stack them.
    src = edge_index[0]
    dst = edge_index[1]
    deg = jnp.zeros((N,), dtype=jnp.float32).at[dst].add(1.0)
    deg = jnp.maximum(deg, 1.0)
    norm = jax.lax.rsqrt(deg[src] * deg[dst])  # symmetric GCN normalization

    def gcn_layer(h, W):
        h = h @ W
        msg = jnp.take(h, src, axis=0) * norm[:, None]  # gather over edges
        agg = jax.ops.segment_sum(msg, dst, num_segments=N)  # scatter-add
        return jax.nn.relu(agg)

    h1 = gcn_layer(x, W1)
    h2 = gcn_layer(h1, W2)
    return jnp.stack([x, h1, h2], axis=0)

if __name__ == "__main__":
    import jax
    _d = setup_inputs()
    print(jax.jit(kernel)(*tuple(_d.values())))

</pallas_src>

<mosaic_0001>
#map = affine_map<(d0, d1) -> (0, 0)>
#map1 = affine_map<(d0, d1) -> (0)>
#map2 = affine_map<(d0, d1) -> (0, 0, 0)>
module attributes {stable_mosaic.version = 14 : i64} {
  func.func @_agg_call(%arg0: i32, %arg1: i32, %arg2: memref<20480x64xf32, #tpu.memory_space<hbm>>, %arg3: memref<327680xi32, #tpu.memory_space<hbm>>, %arg4: memref<327680xi32, #tpu.memory_space<hbm>>, %arg5: memref<2x10240x64xf32, #tpu.memory_space<hbm>>, %arg6: memref<20480xi32, #tpu.memory_space<vmem>>, %arg7: memref<128xi32, #tpu.memory_space<vmem>>, %arg8: memref<128x64xf32, #tpu.memory_space<vmem>>, %arg9: memref<128x64xf32, #tpu.memory_space<vmem>>, %arg10: memref<!tpu.dma_semaphore, #tpu.memory_space<semaphore_mem>>, %arg11: memref<10240x64xf32, #tpu.memory_space<vmem_shared>>, %arg12: memref<10240x64xf32, #tpu.memory_space<vmem_shared>>) attributes {dimension_semantics = [#tpu.dimension_semantics<core_parallel>, #tpu.dimension_semantics<subcore_parallel>], iteration_bounds = array<i64: 2, 16>, scalar_prefetch = 0 : i64, scratch_operands = 7 : i64, tpu.core_type = #tpu.core_type<sc_vector_subcore>, window_params = [{transform_indices = #map}, {transform_indices = #map1}, {transform_indices = #map1}, {transform_indices = #map2}]} {
    %mul3A = arith.constant 640 : i32
    %mul3A_0 = arith.muli %arg1, %mul3A : i32
    %scan3A = arith.constant 0 : i32
    %scan3A_1 = arith.constant 0 : i32
    %scan3A_2 = arith.constant 128 : i32
    %scan3A_3 = arith.addi %scan3A_1, %scan3A_2 : i32
    %scan3A_4 = arith.constant 1 : i32
    scf.for %scan3A_123 = %scan3A_1 to %scan3A_3 step %scan3A_4  : i32 {
      %broadcast_in_dim3A = arith.constant 0.000000e+00 : f32
      %broadcast_in_dim3A_124 = vector.broadcast %broadcast_in_dim3A : f32 to vector<16xf32>
      %swap3A = arith.index_cast %scan3A_123 : i32 to index
      %swap3A_125 = arith.constant 0 : index
      %swap3A_126 = tpu.vector_load %arg8[%swap3A, %swap3A_125] {strides = array<i32>} : memref<128x64xf32, #tpu.memory_space<vmem>>, vector<1x16xf32>,
      %swap3A_127 = vector.shape_cast %swap3A_126 : vector<1x16xf32> to vector<16xf32>
      %swap3A_128 = vector.shape_cast %broadcast_in_dim3A_124 : vector<16xf32> to vector<1x16xf32>
      tpu.vector_store %arg8[%swap3A, %swap3A_125], %swap3A_128 {strides = array<i32>} : memref<128x64xf32, #tpu.memory_space<vmem>>, vector<1x16xf32>,
      %broadcast_in_dim3A_129 = arith.constant 0.000000e+00 : f32
      %broadcast_in_dim3A_130 = vector.broadcast %broadcast_in_dim3A_129 : f32 to vector<16xf32>
      %swap3A_131 = arith.index_cast %scan3A_123 : i32 to index
      %swap3A_132 = arith.constant 16 : index
      %swap3A_133 = tpu.vector_load %arg8[%swap3A_131, %swap3A_132] {strides = array<i32>} : memref<128x64xf32, #tpu.memory_space<vmem>>, vector<1x16xf32>,
      %swap3A_134 = vector.shape_cast %swap3A_133 : vector<1x16xf32> to vector<16xf32>
      %swap3A_135 = vector.shape_cast %broadcast_in_dim3A_130 : vector<16xf32> to vector<1x16xf32>
      tpu.vector_store %arg8[%swap3A_131, %swap3A_132], %swap3A_135 {strides = array<i32>} : memref<128x64xf32, #tpu.memory_space<vmem>>, vector<1x16xf32>,
      %broadcast_in_dim3A_136 = arith.constant 0.000000e+00 : f32
      %broadcast_in_dim3A_137 = vector.broadcast %broadcast_in_dim3A_136 : f32 to vector<16xf32>
      %swap3A_138 = arith.index_cast %scan3A_123 : i32 to index
      %swap3A_139 = arith.constant 32 : index
      %swap3A_140 = tpu.vector_load %arg8[%swap3A_138, %swap3A_139] {strides = array<i32>} : memref<128x64xf32, #tpu.memory_space<vmem>>, vector<1x16xf32>,
      %swap3A_141 = vector.shape_cast %swap3A_140 : vector<1x16xf32> to vector<16xf32>
      %swap3A_142 = vector.shape_cast %broadcast_in_dim3A_137 : vector<16xf32> to vector<1x16xf32>
      tpu.vector_store %arg8[%swap3A_138, %swap3A_139], %swap3A_142 {strides = array<i32>} : memref<128x64xf32, #tpu.memory_space<vmem>>, vector<1x16xf32>,
      %broadcast_in_dim3A_143 = arith.constant 0.000000e+00 : f32
      %broadcast_in_dim3A_144 = vector.broadcast %broadcast_in_dim3A_143 : f32 to vector<16xf32>
      %swap3A_145 = arith.index_cast %scan3A_123 : i32 to index
      %swap3A_146 = arith.constant 48 : index
      %swap3A_147 = tpu.vector_load %arg8[%swap3A_145, %swap3A_146] {strides = array<i32>} : memref<128x64xf32, #tpu.memory_space<vmem>>, vector<1x16xf32>,
      %swap3A_148 = vector.shape_cast %swap3A_147 : vector<1x16xf32> to vector<16xf32>
      %swap3A_149 = vector.shape_cast %broadcast_in_dim3A_144 : vector<16xf32> to vector<1x16xf32>
      tpu.vector_store %arg8[%swap3A_145, %swap3A_146], %swap3A_149 {strides = array<i32>} : memref<128x64xf32, #tpu.memory_space<vmem>>, vector<1x16xf32>,
    }
    %scan3A_5 = arith.constant 128 : i32
    %add3A = arith.constant 0 : i32
    %add3A_6 = arith.addi %mul3A_0, %add3A : i32
    "tpu.region"() ({
      %run_scoped3A = tpu.sem_alloc : memref<!tpu.dma_semaphore, #tpu.memory_space<semaphore_mem>>
      %dma_start3A_123 = arith.constant 0 : i32
      %dma_start3A_124 = tpu.memref_slice %arg11[%add3A_6, %dma_start3A_123] : memref<10240x64xf32, #tpu.memory_space<vmem_shared>> -> memref<128x64xf32, #tpu.memory_space<vmem_shared>>
      %dma_start3A_125 = arith.constant 0 : i32
      %dma_start3A_126 = tpu.memref_slice %arg11[%add3A_6, %dma_start3A_125] : memref<10240x64xf32, #tpu.memory_space<vmem_shared>> -> memref<128x64xf32, #tpu.memory_space<vmem_shared>>
      tpu.enqueue_dma source(%arg8 : memref<128x64xf32, #tpu.memory_space<vmem>>) target(%dma_start3A_126 : memref<128x64xf32, #tpu.memory_space<vmem_shared>>) target_semaphore(%run_scoped3A : memref<!tpu.dma_semaphore, #tpu.memory_space<semaphore_mem>>)
      %dma_wait3A_127 = arith.constant 0 : i32
      %dma_wait3A_128 = tpu.memref_slice %arg11[%add3A_6, %dma_wait3A_127] : memref<10240x64xf32, #tpu.memory_space<vmem_shared>> -> memref<128x64xf32, #tpu.memory_space<vmem_shared>>
      %dma_wait3A_129 = arith.constant 0 : i32
      %dma_wait3A_130 = tpu.memref_slice %arg11[%add3A_6, %dma_wait3A_129] : memref<10240x64xf32, #tpu.memory_space<vmem_shared>> -> memref<128x64xf32, #tpu.memory_space<vmem_shared>>
      tpu.wait_dma2 semaphore(%run_scoped3A : memref<!tpu.dma_semaphore, #tpu.memory_space<semaphore_mem>>) src(%arg8 : memref<128x64xf32, #tpu.memory_space<vmem>>) dst(%dma_wait3A_130 : memref<128x64xf32, #tpu.memory_space<vmem_shared>>)
      tpu.yield
    }) : () -> ()
    %add3A_7 = arith.constant 128 : i32
    %add3A_8 = arith.addi %mul3A_0, %add3A_7 : i32
    "tpu.region"() ({
      %run_scoped3A = tpu.sem_alloc : memref<!tpu.dma_semaphore, #tpu.memory_space<semaphore_mem>>
      %dma_start3A_123 = arith.constant 0 : i32
      %dma_start3A_124 = tpu.memref_slice %arg11[%add3A_8, %dma_start3A_123] : memref<10240x64xf32, #tpu.memory_space<vmem_shared>> -> memref<128x64xf32, #tpu.memory_space<vmem_shared>>
      %dma_start3A_125 = arith.constant 0 : i32
      %dma_start3A_126 = tpu.memref_slice %arg11[%add3A_8, %dma_start3A_125] : memref<10240x64xf32, #tpu.memory_space<vmem_shared>> -> memref<128x64xf32, #tpu.memory_space<vmem_shared>>
      tpu.enqueue_dma source(%arg8 : memref<128x64xf32, #tpu.memory_space<vmem>>) target(%dma_start3A_126 : memref<128x64xf32, #tpu.memory_space<vmem_shared>>) target_semaphore(%run_scoped3A : memref<!tpu.dma_semaphore, #tpu.memory_space<semaphore_mem>>)
      %dma_wait3A_127 = arith.constant 0 : i32
      %dma_wait3A_128 = tpu.memref_slice %arg11[%add3A_8, %dma_wait3A_127] : memref<10240x64xf32, #tpu.memory_space<vmem_shared>> -> memref<128x64xf32, #tpu.memory_space<vmem_shared>>
      %dma_wait3A_129 = arith.constant 0 : i32
      %dma_wait3A_130 = tpu.memref_slice %arg11[%add3A_8, %dma_wait3A_129] : memref<10240x64xf32, #tpu.memory_space<vmem_shared>> -> memref<128x64xf32, #tpu.memory_space<vmem_shared>>
      tpu.wait_dma2 semaphore(%run_scoped3A : memref<!tpu.dma_semaphore, #tpu.memory_space<semaphore_mem>>) src(%arg8 : memref<128x64xf32, #tpu.memory_space<vmem>>) dst(%dma_wait3A_130 : memref<128x64xf32, #tpu.memory_space<vmem_shared>>)
      tpu.yield
    }) : () -> ()
    %add3A_9 = arith.constant 256 : i32
    %add3A_10 = arith.addi %mul3A_0, %add3A_9 : i32
    "tpu.region"() ({
      %run_scoped3A = tpu.sem_alloc : memref<!tpu.dma_semaphore, #tpu.memory_space<semaphore_mem>>
      %dma_start3A_123 = arith.constant 0 : i32
      %dma_start3A_124 = tpu.memref_slice %arg11[%add3A_10, %dma_start3A_123] : memref<10240x64xf32, #tpu.memory_space<vmem_shared>> -> memref<128x64xf32, #tpu.memory_space<vmem_shared>>
      %dma_start3A_125 = arith.constant 0 : i32
      %dma_start3A_126 = tpu.memref_slice %arg11[%add3A_10, %dma_start3A_125] : memref<10240x64xf32, #tpu.memory_space<vmem_shared>> -> memref<128x64xf32, #tpu.memory_space<vmem_shared>>
      tpu.enqueue_dma source(%arg8 : memref<128x64xf32, #tpu.memory_space<vmem>>) target(%dma_start3A_126 : memref<128x64xf32, #tpu.memory_space<vmem_shared>>) target_semaphore(%run_scoped3A : memref<!tpu.dma_semaphore, #tpu.memory_space<semaphore_mem>>)
      %dma_wait3A_127 = arith.constant 0 : i32
      %dma_wait3A_128 = tpu.memref_slice %arg11[%add3A_10, %dma_wait3A_127] : memref<10240x64xf32, #tpu.memory_space<vmem_shared>> -> memref<128x64xf32, #tpu.memory_space<vmem_shared>>
      %dma_wait3A_129 = arith.constant 0 : i32
      %dma_wait3A_130 = tpu.memref_slice %arg11[%add3A_10, %dma_wait3A_129] : memref<10240x64xf32, #tpu.memory_space<vmem_shared>> -> memref<128x64xf32, #tpu.memory_space<vmem_shared>>
      tpu.wait_dma2 semaphore(%run_scoped3A : memref<!tpu.dma_semaphore, #tpu.memory_space<semaphore_mem>>) src(%arg8 : memref<128x64xf32, #tpu.memory_space<vmem>>) dst(%dma_wait3A_130 : memref<128x64xf32, #tpu.memory_space<vmem_shared>>)
      tpu.yield
    }) : () -> ()
    %add3A_11 = arith.constant 384 : i32
    %add3A_12 = arith.addi %mul3A_0, %add3A_11 : i32
    "tpu.region"() ({
      %run_scoped3A = tpu.sem_alloc : memref<!tpu.dma_semaphore, #tpu.memory_space<semaphore_mem>>
      %dma_start3A_123 = arith.constant 0 : i32
      %dma_start3A_124 = tpu.memref_slice %arg11[%add3A_12, %dma_start3A_123] : memref<10240x64xf32, #tpu.memory_space<vmem_shared>> -> memref<128x64xf32, #tpu.memory_space<vmem_shared>>
      %dma_start3A_125 = arith.constant 0 : i32
      %dma_start3A_126 = tpu.memref_slice %arg11[%add3A_12, %dma_start3A_125] : memref<10240x64xf32, #tpu.memory_space<vmem_shared>> -> memref<128x64xf32, #tpu.memory_space<vmem_shared>>
      tpu.enqueue_dma source(%arg8 : memref<128x64xf32, #tpu.memory_space<vmem>>) target(%dma_start3A_126 : memref<128x64xf32, #tpu.memory_space<vmem_shared>>) target_semaphore(%run_scoped3A : memref<!tpu.dma_semaphore, #tpu.memory_space<semaphore_mem>>)
      %dma_wait3A_127 = arith.constant 0 : i32
      %dma_wait3A_128 = tpu.memref_slice %arg11[%add3A_12, %dma_wait3A_127] : memref<10240x64xf32, #tpu.memory_space<vmem_shared>> -> memref<128x64xf32, #tpu.memory_space<vmem_shared>>
      %dma_wait3A_129 = arith.constant 0 : i32
      %dma_wait3A_130 = tpu.memref_slice %arg11[%add3A_12, %dma_wait3A_129] : memref<10240x64xf32, #tpu.memory_space<vmem_shared>> -> memref<128x64xf32, #tpu.memory_space<vmem_shared>>
      tpu.wait_dma2 semaphore(%run_scoped3A : memref<!tpu.dma_semaphore, #tpu.memory_space<semaphore_mem>>) src(%arg8 : memref<128x64xf32, #tpu.memory_space<vmem>>) dst(%dma_wait3A_130 : memref<128x64xf32, #tpu.memory_space<vmem_shared>>)
      tpu.yield
    }) : () -> ()
    %add3A_13 = arith.constant 512 : i32
    %add3A_14 = arith.addi %mul3A_0, %add3A_13 : i32
    "tpu.region"() ({
      %run_scoped3A = tpu.sem_alloc : memref<!tpu.dma_semaphore, #tpu.memory_space<semaphore_mem>>
      %dma_start3A_123 = arith.constant 0 : i32
      %dma_start3A_124 = tpu.memref_slice %arg11[%add3A_14, %dma_start3A_123] : memref<10240x64xf32, #tpu.memory_space<vmem_shared>> -> memref<128x64xf32, #tpu.memory_space<vmem_shared>>
      %dma_start3A_125 = arith.constant 0 : i32
      %dma_start3A_126 = tpu.memref_slice %arg11[%add3A_14, %dma_start3A_125] : memref<10240x64xf32, #tpu.memory_space<vmem_shared>> -> memref<128x64xf32, #tpu.memory_space<vmem_shared>>
      tpu.enqueue_dma source(%arg8 : memref<128x64xf32, #tpu.memory_space<vmem>>) target(%dma_start3A_126 : memref<128x64xf32, #tpu.memory_space<vmem_shared>>) target_semaphore(%run_scoped3A : memref<!tpu.dma_semaphore, #tpu.memory_space<semaphore_mem>>)
      %dma_wait3A_127 = arith.constant 0 : i32
      %dma_wait3A_128 = tpu.memref_slice %arg11[%add3A_14, %dma_wait3A_127] : memref<10240x64xf32, #tpu.memory_space<vmem_shared>> -> memref<128x64xf32, #tpu.memory_space<vmem_shared>>
      %dma_wait3A_129 = arith.constant 0 : i32
      %dma_wait3A_130 = tpu.memref_slice %arg11[%add3A_14, %dma_wait3A_129] : memref<10240x64xf32, #tpu.memory_space<vmem_shared>> -> memref<128x64xf32, #tpu.memory_space<vmem_shared>>
      tpu.wait_dma2 semaphore(%run_scoped3A : memref<!tpu.dma_semaphore, #tpu.memory_space<semaphore_mem>>) src(%arg8 : memref<128x64xf32, #tpu.memory_space<vmem>>) dst(%dma_wait3A_130 : memref<128x64xf32, #tpu.memory_space<vmem_shared>>)
      tpu.yield
    }) : () -> ()
    %scan3A_15 = arith.constant 0 : i32
    %scan3A_16 = arith.constant 0 : i32
    %scan3A_17 = arith.constant 40 : i32
    %scan3A_18 = arith.addi %scan3A_16, %scan3A_17 : i32
    %scan3A_19 = arith.constant 1 : i32
    scf.for %scan3A_123 = %scan3A_16 to %scan3A_18 step %scan3A_19  : i32 {
      %mul3A_124 = arith.constant 16 : i32
      %mul3A_125 = arith.muli %scan3A_123, %mul3A_124 : i32
      %add3A_126 = arith.addi %mul3A_0, %mul3A_125 : i32
      %mul3A_127 = arith.constant 2 : i32
      %mul3A_128 = arith.muli %mul3A_127, %add3A_126 : i32
      %add3A_129 = arith.addi %mul3A_128, %arg0 : i32
      %iota3A = tpu.iota {dimensions = array<i32: 0>} : vector<16xi32>
      %mul3A_130 = arith.constant 2 : i32
      %mul3A_131 = vector.broadcast %mul3A_130 : i32 to vector<16xi32>
      %mul3A_132 = arith.muli %mul3A_131, %iota3A : vector<16xi32>
      %add3A_133 = vector.broadcast %add3A_129 : i32 to vector<16xi32>
      %add3A_134 = arith.addi %add3A_133, %mul3A_132 : vector<16xi32>
      %mul3A_135 = arith.constant 16 : i32
      %mul3A_136 = arith.muli %scan3A_123, %mul3A_135 : i32
      %swap3A = arith.index_cast %mul3A_136 : i32 to index
      %swap3A_137 = tpu.vector_load %arg6[%swap3A] {strides = array<i32>} : memref<20480xi32, #tpu.memory_space<vmem>>, vector<16xi32>,
      %swap3A_138 = vector.shape_cast %swap3A_137 : vector<16xi32> to vector<16xi32>
      %swap3A_139 = vector.shape_cast %add3A_134 : vector<16xi32> to vector<16xi32>
      tpu.vector_store %arg6[%swap3A], %swap3A_139 {strides = array<i32>} : memref<20480xi32, #tpu.memory_space<vmem>>, vector<16xi32>,
    }
    %scan3A_20 = arith.constant 40 : i32
    %dma_start3A = arith.constant 0 : i32
    %dma_start3A_21 = tpu.memref_slice %arg6[%dma_start3A] : memref<20480xi32, #tpu.memory_space<vmem>> -> memref<128xi32, #tpu.memory_space<vmem>>
    %dma_start3A_22 = arith.constant 0 : i32
    %dma_start3A_23 = arith.constant 0 : i32
    %dma_start3A_24 = tpu.memref_slice %arg2[%dma_start3A_22, %dma_start3A_23] : memref<20480x64xf32, #tpu.memory_space<hbm>> -> memref<20480x64xf32, #tpu.memory_space<hbm>>
    tpu.enqueue_indirect_dma source(%dma_start3A_24 : memref<20480x64xf32, #tpu.memory_space<hbm>>) target(%arg9 : memref<128x64xf32, #tpu.memory_space<vmem>>) offsets(%dma_start3A_21 : memref<128xi32, #tpu.memory_space<vmem>>) semaphore(%arg10 : memref<!tpu.dma_semaphore, #tpu.memory_space<semaphore_mem>>)
    %dma_wait3A = arith.constant 0 : i32
    %dma_wait3A_25 = tpu.memref_slice %arg6[%dma_wait3A] : memref<20480xi32, #tpu.memory_space<vmem>> -> memref<128xi32, #tpu.memory_space<vmem>>
    %dma_wait3A_26 = arith.constant 0 : i32
    %dma_wait3A_27 = arith.constant 0 : i32
    %dma_wait3A_28 = tpu.memref_slice %arg2[%dma_wait3A_26, %dma_wait3A_27] : memref<20480x64xf32, #tpu.memory_space<hbm>> -> memref<20480x64xf32, #tpu.memory_space<hbm>>
    tpu.wait_indirect_dma semaphore(%arg10 : memref<!tpu.dma_semaphore, #tpu.memory_space<semaphore_mem>>) src(%dma_wait3A_28 : memref<20480x64xf32, #tpu.memory_space<hbm>>) dst(%arg9 : memref<128x64xf32, #tpu.memory_space<vmem>>)
    %add3A_29 = arith.constant 0 : i32
    %add3A_30 = arith.addi %mul3A_0, %add3A_29 : i32
    "tpu.region"() ({
      %run_scoped3A = tpu.sem_alloc : memref<!tpu.dma_semaphore, #tpu.memory_space<semaphore_mem>>
      %dma_start3A_123 = arith.constant 0 : i32
      %dma_start3A_124 = tpu.memref_slice %arg12[%add3A_30, %dma_start3A_123] : memref<10240x64xf32, #tpu.memory_space<vmem_shared>> -> memref<128x64xf32, #tpu.memory_space<vmem_shared>>
      %dma_start3A_125 = arith.constant 0 : i32
      %dma_start3A_126 = tpu.memref_slice %arg12[%add3A_30, %dma_start3A_125] : memref<10240x64xf32, #tpu.memory_space<vmem_shared>> -> memref<128x64xf32, #tpu.memory_space<vmem_shared>>
      tpu.enqueue_dma source(%arg9 : memref<128x64xf32, #tpu.memory_space<vmem>>) target(%dma_start3A_126 : memref<128x64xf32, #tpu.memory_space<vmem_shared>>) target_semaphore(%run_scoped3A : memref<!tpu.dma_semaphore, #tpu.memory_space<semaphore_mem>>)
      %dma_wait3A_127 = arith.constant 0 : i32
      %dma_wait3A_128 = tpu.memref_slice %arg12[%add3A_30, %dma_wait3A_127] : memref<10240x64xf32, #tpu.memory_space<vmem_shared>> -> memref<128x64xf32, #tpu.memory_space<vmem_shared>>
      %dma_wait3A_129 = arith.constant 0 : i32
      %dma_wait3A_130 = tpu.memref_slice %arg12[%add3A_30, %dma_wait3A_129] : memref<10240x64xf32, #tpu.memory_space<vmem_shared>> -> memref<128x64xf32, #tpu.memory_space<vmem_shared>>
      tpu.wait_dma2 semaphore(%run_scoped3A : memref<!tpu.dma_semaphore, #tpu.memory_space<semaphore_mem>>) src(%arg9 : memref<128x64xf32, #tpu.memory_space<vmem>>) dst(%dma_wait3A_130 : memref<128x64xf32, #tpu.memory_space<vmem_shared>>)
      tpu.yield
    }) : () -> ()
    %dma_start3A_31 = arith.constant 128 : i32
    %dma_start3A_32 = tpu.memref_slice %arg6[%dma_start3A_31] : memref<20480xi32, #tpu.memory_space<vmem>> -> memref<128xi32, #tpu.memory_space<vmem>>
    %dma_start3A_33 = arith.constant 0 : i32
    %dma_start3A_34 = arith.constant 0 : i32
    %dma_start3A_35 = tpu.memref_slice %arg2[%dma_start3A_33, %dma_start3A_34] : memref<20480x64xf32, #tpu.memory_space<hbm>> -> memref<20480x64xf32, #tpu.memory_space<hbm>>
    tpu.enqueue_indirect_dma source(%dma_start3A_35 : memref<20480x64xf32, #tpu.memory_space<hbm>>) target(%arg9 : memref<128x64xf32, #tpu.memory_space<vmem>>) offsets(%dma_start3A_32 : memref<128xi32, #tpu.memory_space<vmem>>) semaphore(%arg10 : memref<!tpu.dma_semaphore, #tpu.memory_space<semaphore_mem>>)
    %dma_wait3A_36 = arith.constant 128 : i32
    %dma_wait3A_37 = tpu.memref_slice %arg6[%dma_wait3A_36] : memref<20480xi32, #tpu.memory_space<vmem>> -> memref<128xi32, #tpu.memory_space<vmem>>
    %dma_wait3A_38 = arith.constant 0 : i32
    %dma_wait3A_39 = arith.constant 0 : i32
    %dma_wait3A_40 = tpu.memref_slice %arg2[%dma_wait3A_38, %dma_wait3A_39] : memref<20480x64xf32, #tpu.memory_space<hbm>> -> memref<20480x64xf32, #tpu.memory_space<hbm>>
    tpu.wait_indirect_dma semaphore(%arg10 : memref<!tpu.dma_semaphore, #tpu.memory_space<semaphore_mem>>) src(%dma_wait3A_40 : memref<20480x64xf32, #tpu.memory_space<hbm>>) dst(%arg9 : memref<128x64xf32, #tpu.memory_space<vmem>>)
    %add3A_41 = arith.constant 128 : i32
    %add3A_42 = arith.addi %mul3A_0, %add3A_41 : i32
    "tpu.region"() ({
      %run_scoped3A = tpu.sem_alloc : memref<!tpu.dma_semaphore, #tpu.memory_space<semaphore_mem>>
      %dma_start3A_123 = arith.constant 0 : i32
      %dma_start3A_124 = tpu.memref_slice %arg12[%add3A_42, %dma_start3A_123] : memref<10240x64xf32, #tpu.memory_space<vmem_shared>> -> memref<128x64xf32, #tpu.memory_space<vmem_shared>>
      %dma_start3A_125 = arith.constant 0 : i32
      %dma_start3A_126 = tpu.memref_slice %arg12[%add3A_42, %dma_start3A_125] : memref<10240x64xf32, #tpu.memory_space<vmem_shared>> -> memref<128x64xf32, #tpu.memory_space<vmem_shared>>
      tpu.enqueue_dma source(%arg9 : memref<128x64xf32, #tpu.memory_space<vmem>>) target(%dma_start3A_126 : memref<128x64xf32, #tpu.memory_space<vmem_shared>>) target_semaphore(%run_scoped3A : memref<!tpu.dma_semaphore, #tpu.memory_space<semaphore_mem>>)
      %dma_wait3A_127 = arith.constant 0 : i32
      %dma_wait3A_128 = tpu.memref_slice %arg12[%add3A_42, %dma_wait3A_127] : memref<10240x64xf32, #tpu.memory_space<vmem_shared>> -> memref<128x64xf32, #tpu.memory_space<vmem_shared>>
      %dma_wait3A_129 = arith.constant 0 : i32
      %dma_wait3A_130 = tpu.memref_slice %arg12[%add3A_42, %dma_wait3A_129] : memref<10240x64xf32, #tpu.memory_space<vmem_shared>> -> memref<128x64xf32, #tpu.memory_space<vmem_shared>>
      tpu.wait_dma2 semaphore(%run_scoped3A : memref<!tpu.dma_semaphore, #tpu.memory_space<semaphore_mem>>) src(%arg9 : memref<128x64xf32, #tpu.memory_space<vmem>>) dst(%dma_wait3A_130 : memref<128x64xf32, #tpu.memory_space<vmem_shared>>)
      tpu.yield
    }) : () -> ()
    %dma_start3A_43 = arith.constant 256 : i32
    %dma_start3A_44 = tpu.memref_slice %arg6[%dma_start3A_43] : memref<20480xi32, #tpu.memory_space<vmem>> -> memref<128xi32, #tpu.memory_space<vmem>>
    %dma_start3A_45 = arith.constant 0 : i32
    %dma_start3A_46 = arith.constant 0 : i32
    %dma_start3A_47 = tpu.memref_slice %arg2[%dma_start3A_45, %dma_start3A_46] : memref<20480x64xf32, #tpu.memory_space<hbm>> -> memref<20480x64xf32, #tpu.memory_space<hbm>>
    tpu.enqueue_indirect_dma source(%dma_start3A_47 : memref<20480x64xf32, #tpu.memory_space<hbm>>) target(%arg9 : memref<128x64xf32, #tpu.memory_space<vmem>>) offsets(%dma_start3A_44 : memref<128xi32, #tpu.memory_space<vmem>>) semaphore(%arg10 : memref<!tpu.dma_semaphore, #tpu.memory_space<semaphore_mem>>)
    %dma_wait3A_48 = arith.constant 256 : i32
    %dma_wait3A_49 = tpu.memref_slice %arg6[%dma_wait3A_48] : memref<20480xi32, #tpu.memory_space<vmem>> -> memref<128xi32, #tpu.memory_space<vmem>>
    %dma_wait3A_50 = arith.constant 0 : i32
    %dma_wait3A_51 = arith.constant 0 : i32
    %dma_wait3A_52 = tpu.memref_slice %arg2[%dma_wait3A_50, %dma_wait3A_51] : memref<20480x64xf32, #tpu.memory_space<hbm>> -> memref<20480x64xf32, #tpu.memory_space<hbm>>
    tpu.wait_indirect_dma semaphore(%arg10 : memref<!tpu.dma_semaphore, #tpu.memory_space<semaphore_mem>>) src(%dma_wait3A_52 : memref<20480x64xf32, #tpu.memory_space<hbm>>) dst(%arg9 : memref<128x64xf32, #tpu.memory_space<vmem>>)
    %add3A_53 = arith.constant 256 : i32
    %add3A_54 = arith.addi %mul3A_0, %add3A_53 : i32
    "tpu.region"() ({
      %run_scoped3A = tpu.sem_alloc : memref<!tpu.dma_semaphore, #tpu.memory_space<semaphore_mem>>
      %dma_start3A_123 = arith.constant 0 : i32
      %dma_start3A_124 = tpu.memref_slice %arg12[%add3A_54, %dma_start3A_123] : memref<10240x64xf32, #tpu.memory_space<vmem_shared>> -> memref<128x64xf32, #tpu.memory_space<vmem_shared>>
      %dma_start3A_125 = arith.constant 0 : i32
      %dma_start3A_126 = tpu.memref_slice %arg12[%add3A_54, %dma_start3A_125] : memref<10240x64xf32, #tpu.memory_space<vmem_shared>> -> memref<128x64xf32, #tpu.memory_space<vmem_shared>>
      tpu.enqueue_dma source(%arg9 : memref<128x64xf32, #tpu.memory_space<vmem>>) target(%dma_start3A_126 : memref<128x64xf32, #tpu.memory_space<vmem_shared>>) target_semaphore(%run_scoped3A : memref<!tpu.dma_semaphore, #tpu.memory_space<semaphore_mem>>)
      %dma_wait3A_127 = arith.constant 0 : i32
      %dma_wait3A_128 = tpu.memref_slice %arg12[%add3A_54, %dma_wait3A_127] : memref<10240x64xf32, #tpu.memory_space<vmem_shared>> -> memref<128x64xf32, #tpu.memory_space<vmem_shared>>
      %dma_wait3A_129 = arith.constant 0 : i32
      %dma_wait3A_130 = tpu.memref_slice %arg12[%add3A_54, %dma_wait3A_129] : memref<10240x64xf32, #tpu.memory_space<vmem_shared>> -> memref<128x64xf32, #tpu.memory_space<vmem_shared>>
      tpu.wait_dma2 semaphore(%run_scoped3A : memref<!tpu.dma_semaphore, #tpu.memory_space<semaphore_mem>>) src(%arg9 : memref<128x64xf32, #tpu.memory_space<vmem>>) dst(%dma_wait3A_130 : memref<128x64xf32, #tpu.memory_space<vmem_shared>>)
      tpu.yield
    }) : () -> ()
    %dma_start3A_55 = arith.constant 384 : i32
    %dma_start3A_56 = tpu.memref_slice %arg6[%dma_start3A_55] : memref<20480xi32, #tpu.memory_space<vmem>> -> memref<128xi32, #tpu.memory_space<vmem>>
    %dma_start3A_57 = arith.constant 0 : i32
    %dma_start3A_58 = arith.constant 0 : i32
    %dma_start3A_59 = tpu.memref_slice %arg2[%dma_start3A_57, %dma_start3A_58] : memref<20480x64xf32, #tpu.memory_space<hbm>> -> memref<20480x64xf32, #tpu.memory_space<hbm>>
    tpu.enqueue_indirect_dma source(%dma_start3A_59 : memref<20480x64xf32, #tpu.memory_space<hbm>>) target(%arg9 : memref<128x64xf32, #tpu.memory_space<vmem>>) offsets(%dma_start3A_56 : memref<128xi32, #tpu.memory_space<vmem>>) semaphore(%arg10 : memref<!tpu.dma_semaphore, #tpu.memory_space<semaphore_mem>>)
    %dma_wait3A_60 = arith.constant 384 : i32
    %dma_wait3A_61 = tpu.memref_slice %arg6[%dma_wait3A_60] : memref<20480xi32, #tpu.memory_space<vmem>> -> memref<128xi32, #tpu.memory_space<vmem>>
    %dma_wait3A_62 = arith.constant 0 : i32
    %dma_wait3A_63 = arith.constant 0 : i32
    %dma_wait3A_64 = tpu.memref_slice %arg2[%dma_wait3A_62, %dma_wait3A_63] : memref<20480x64xf32, #tpu.memory_space<hbm>> -> memref<20480x64xf32, #tpu.memory_space<hbm>>
    tpu.wait_indirect_dma semaphore(%arg10 : memref<!tpu.dma_semaphore, #tpu.memory_space<semaphore_mem>>) src(%dma_wait3A_64 : memref<20480x64xf32, #tpu.memory_space<hbm>>) dst(%arg9 : memref<128x64xf32, #tpu.memory_space<vmem>>)
    %add3A_65 = arith.constant 384 : i32
    %add3A_66 = arith.addi %mul3A_0, %add3A_65 : i32
    "tpu.region"() ({
      %run_scoped3A = tpu.sem_alloc : memref<!tpu.dma_semaphore, #tpu.memory_space<semaphore_mem>>
      %dma_start3A_123 = arith.constant 0 : i32
      %dma_start3A_124 = tpu.memref_slice %arg12[%add3A_66, %dma_start3A_123] : memref<10240x64xf32, #tpu.memory_space<vmem_shared>> -> memref<128x64xf32, #tpu.memory_space<vmem_shared>>
      %dma_start3A_125 = arith.constant 0 : i32
      %dma_start3A_126 = tpu.memref_slice %arg12[%add3A_66, %dma_start3A_125] : memref<10240x64xf32, #tpu.memory_space<vmem_shared>> -> memref<128x64xf32, #tpu.memory_space<vmem_shared>>
      tpu.enqueue_dma source(%arg9 : memref<128x64xf32, #tpu.memory_space<vmem>>) target(%dma_start3A_126 : memref<128x64xf32, #tpu.memory_space<vmem_shared>>) target_semaphore(%run_scoped3A : memref<!tpu.dma_semaphore, #tpu.memory_space<semaphore_mem>>)
      %dma_wait3A_127 = arith.constant 0 : i32
      %dma_wait3A_128 = tpu.memref_slice %arg12[%add3A_66, %dma_wait3A_127] : memref<10240x64xf32, #tpu.memory_space<vmem_shared>> -> memref<128x64xf32, #tpu.memory_space<vmem_shared>>
      %dma_wait3A_129 = arith.constant 0 : i32
      %dma_wait3A_130 = tpu.memref_slice %arg12[%add3A_66, %dma_wait3A_129] : memref<10240x64xf32, #tpu.memory_space<vmem_shared>> -> memref<128x64xf32, #tpu.memory_space<vmem_shared>>
      tpu.wait_dma2 semaphore(%run_scoped3A : memref<!tpu.dma_semaphore, #tpu.memory_space<semaphore_mem>>) src(%arg9 : memref<128x64xf32, #tpu.memory_space<vmem>>) dst(%dma_wait3A_130 : memref<128x64xf32, #tpu.memory_space<vmem_shared>>)
      tpu.yield
    }) : () -> ()
    %dma_start3A_67 = arith.constant 512 : i32
    %dma_start3A_68 = tpu.memref_slice %arg6[%dma_start3A_67] : memref<20480xi32, #tpu.memory_space<vmem>> -> memref<128xi32, #tpu.memory_space<vmem>>
    %dma_start3A_69 = arith.constant 0 : i32
    %dma_start3A_70 = arith.constant 0 : i32
    %dma_start3A_71 = tpu.memref_slice %arg2[%dma_start3A_69, %dma_start3A_70] : memref<20480x64xf32, #tpu.memory_space<hbm>> -> memref<20480x64xf32, #tpu.memory_space<hbm>>
    tpu.enqueue_indirect_dma source(%dma_start3A_71 : memref<20480x64xf32, #tpu.memory_space<hbm>>) target(%arg9 : memref<128x64xf32, #tpu.memory_space<vmem>>) offsets(%dma_start3A_68 : memref<128xi32, #tpu.memory_space<vmem>>) semaphore(%arg10 : memref<!tpu.dma_semaphore, #tpu.memory_space<semaphore_mem>>)
    %dma_wait3A_72 = arith.constant 512 : i32
    %dma_wait3A_73 = tpu.memref_slice %arg6[%dma_wait3A_72] : memref<20480xi32, #tpu.memory_space<vmem>> -> memref<128xi32, #tpu.memory_space<vmem>>
    %dma_wait3A_74 = arith.constant 0 : i32
    %dma_wait3A_75 = arith.constant 0 : i32
    %dma_wait3A_76 = tpu.memref_slice %arg2[%dma_wait3A_74, %dma_wait3A_75] : memref<20480x64xf32, #tpu.memory_space<hbm>> -> memref<20480x64xf32, #tpu.memory_space<hbm>>
    tpu.wait_indirect_dma semaphore(%arg10 : memref<!tpu.dma_semaphore, #tpu.memory_space<semaphore_mem>>) src(%dma_wait3A_76 : memref<20480x64xf32, #tpu.memory_space<hbm>>) dst(%arg9 : memref<128x64xf32, #tpu.memory_space<vmem>>)
    %add3A_77 = arith.constant 512 : i32
    %add3A_78 = arith.addi %mul3A_0, %add3A_77 : i32
    "tpu.region"() ({
      %run_scoped3A = tpu.sem_alloc : memref<!tpu.dma_semaphore, #tpu.memory_space<semaphore_mem>>
      %dma_start3A_123 = arith.constant 0 : i32
      %dma_start3A_124 = tpu.memref_slice %arg12[%add3A_78, %dma_start3A_123] : memref<10240x64xf32, #tpu.memory_space<vmem_shared>> -> memref<128x64xf32, #tpu.memory_space<vmem_shared>>
      %dma_start3A_125 = arith.constant 0 : i32
      %dma_start3A_126 = tpu.memref_slice %arg12[%add3A_78, %dma_start3A_125] : memref<10240x64xf32, #tpu.memory_space<vmem_shared>> -> memref<128x64xf32, #tpu.memory_space<vmem_shared>>
      tpu.enqueue_dma source(%arg9 : memref<128x64xf32, #tpu.memory_space<vmem>>) target(%dma_start3A_126 : memref<128x64xf32, #tpu.memory_space<vmem_shared>>) target_semaphore(%run_scoped3A : memref<!tpu.dma_semaphore, #tpu.memory_space<semaphore_mem>>)
      %dma_wait3A_127 = arith.constant 0 : i32
      %dma_wait3A_128 = tpu.memref_slice %arg12[%add3A_78, %dma_wait3A_127] : memref<10240x64xf32, #tpu.memory_space<vmem_shared>> -> memref<128x64xf32, #tpu.memory_space<vmem_shared>>
      %dma_wait3A_129 = arith.constant 0 : i32
      %dma_wait3A_130 = tpu.memref_slice %arg12[%add3A_78, %dma_wait3A_129] : memref<10240x64xf32, #tpu.memory_space<vmem_shared>> -> memref<128x64xf32, #tpu.memory_space<vmem_shared>>
      tpu.wait_dma2 semaphore(%run_scoped3A : memref<!tpu.dma_semaphore, #tpu.memory_space<semaphore_mem>>) src(%arg9 : memref<128x64xf32, #tpu.memory_space<vmem>>) dst(%dma_wait3A_130 : memref<128x64xf32, #tpu.memory_space<vmem_shared>>)
      tpu.yield
    }) : () -> ()
    %barrier3A = arith.constant 0 : index
    tpu.barrier barrier_id(%barrier3A)
    %mul3A_79 = arith.constant 160 : i32
    %mul3A_80 = arith.muli %arg1, %mul3A_79 : i32
    %mul3A_81 = arith.constant 128 : i32
    %mul3A_82 = arith.muli %mul3A_80, %mul3A_81 : i32
    "tpu.region"() ({
      %run_scoped3A = tpu.sem_alloc : memref<!tpu.dma_semaphore, #tpu.memory_space<semaphore_mem>>
      %dma_start3A_123 = tpu.memref_slice %arg3[%mul3A_82] : memref<327680xi32, #tpu.memory_space<hbm>> -> memref<20480xi32, #tpu.memory_space<hbm>>
      %dma_start3A_124 = tpu.memref_slice %arg3[%mul3A_82] : memref<327680xi32, #tpu.memory_space<hbm>> -> memref<20480xi32, #tpu.memory_space<hbm>>
      tpu.enqueue_dma source(%dma_start3A_124 : memref<20480xi32, #tpu.memory_space<hbm>>) target(%arg6 : memref<20480xi32, #tpu.memory_space<vmem>>) target_semaphore(%run_scoped3A : memref<!tpu.dma_semaphore, #tpu.memory_space<semaphore_mem>>)
      %dma_wait3A_125 = tpu.memref_slice %arg3[%mul3A_82] : memref<327680xi32, #tpu.memory_space<hbm>> -> memref<20480xi32, #tpu.memory_space<hbm>>
      %dma_wait3A_126 = tpu.memref_slice %arg3[%mul3A_82] : memref<327680xi32, #tpu.memory_space<hbm>> -> memref<20480xi32, #tpu.memory_space<hbm>>
      tpu.wait_dma2 semaphore(%run_scoped3A : memref<!tpu.dma_semaphore, #tpu.memory_space<semaphore_mem>>) src(%dma_wait3A_126 : memref<20480xi32, #tpu.memory_space<hbm>>) dst(%arg6 : memref<20480xi32, #tpu.memory_space<vmem>>)
      tpu.yield
    }) : () -> ()
    %multiple_of3A = arith.constant 0 : i32
    %multiple_of3A_83 = tpu.assume_multiple %multiple_of3A, 128 : i32
    %dma_start3A_84 = tpu.memref_slice %arg6[%multiple_of3A_83] : memref<20480xi32, #tpu.memory_space<vmem>> -> memref<128xi32, #tpu.memory_space<vmem>>
    %dma_start3A_85 = arith.constant 0 : i32
    %dma_start3A_86 = arith.constant 0 : i32
    %dma_start3A_87 = tpu.memref_slice %arg12[%dma_start3A_85, %dma_start3A_86] : memref<10240x64xf32, #tpu.memory_space<vmem_shared>> -> memref<10240x64xf32, #tpu.memory_space<vmem_shared>>
    tpu.enqueue_indirect_dma source(%dma_start3A_87 : memref<10240x64xf32, #tpu.memory_space<vmem_shared>>) target(%arg8 : memref<128x64xf32, #tpu.memory_space<vmem>>) offsets(%dma_start3A_84 : memref<128xi32, #tpu.memory_space<vmem>>) semaphore(%arg10 : memref<!tpu.dma_semaphore, #tpu.memory_space<semaphore_mem>>)
    %scan3A_88 = arith.constant 0 : i32
    %scan3A_89 = arith.constant 0 : i32
    %scan3A_90 = arith.constant 79 : i32
    %scan3A_91 = arith.addi %scan3A_89, %scan3A_90 : i32
    %scan3A_92 = arith.constant 1 : i32
    scf.for %scan3A_123 = %scan3A_89 to %scan3A_91 step %scan3A_92  : i32 {
      %mul3A_124 = arith.constant 2 : i32
      %mul3A_125 = arith.muli %mul3A_124, %scan3A_123 : i32
      %add3A_126 = arith.constant 0 : i32
      %add3A_127 = arith.addi %mul3A_125, %add3A_126 : i32
      %mul3A_128 = arith.constant 128 : i32
      %mul3A_129 = arith.muli %add3A_127, %mul3A_128 : i32
      %multiple_of3A_130 = tpu.assume_multiple %mul3A_129, 128 : i32
      %dma_wait3A_131 = tpu.memref_slice %arg6[%multiple_of3A_130] : memref<20480xi32, #tpu.memory_space<vmem>> -> memref<128xi32, #tpu.memory_space<vmem>>
      %dma_wait3A_132 = arith.constant 0 : i32
      %dma_wait3A_133 = arith.constant 0 : i32
      %dma_wait3A_134 = tpu.memref_slice %arg12[%dma_wait3A_132, %dma_wait3A_133] : memref<10240x64xf32, #tpu.memory_space<vmem_shared>> -> memref<10240x64xf32, #tpu.memory_space<vmem_shared>>
      tpu.wait_indirect_dma semaphore(%arg10 : memref<!tpu.dma_semaphore, #tpu.memory_space<semaphore_mem>>) src(%dma_wait3A_134 : memref<10240x64xf32, #tpu.memory_space<vmem_shared>>) dst(%arg8 : memref<128x64xf32, #tpu.memory_space<vmem>>)
      %add3A_135 = arith.constant 1 : i32
      %add3A_136 = arith.addi %add3A_127, %add3A_135 : i32
      %mul3A_137 = arith.constant 128 : i32
      %mul3A_138 = arith.muli %add3A_136, %mul3A_137 : i32
      %multiple_of3A_139 = tpu.assume_multiple %mul3A_138, 128 : i32
      %dma_start3A_140 = tpu.memref_slice %arg6[%multiple_of3A_139] : memref<20480xi32, #tpu.memory_space<vmem>> -> memref<128xi32, #tpu.memory_space<vmem>>
      %dma_start3A_141 = arith.constant 0 : i32
      %dma_start3A_142 = arith.constant 0 : i32
      %dma_start3A_143 = tpu.memref_slice %arg12[%dma_start3A_141, %dma_start3A_142] : memref<10240x64xf32, #tpu.memory_space<vmem_shared>> -> memref<10240x64xf32, #tpu.memory_space<vmem_shared>>
      tpu.enqueue_indirect_dma source(%dma_start3A_143 : memref<10240x64xf32, #tpu.memory_space<vmem_shared>>) target(%arg9 : memref<128x64xf32, #tpu.memory_space<vmem>>) offsets(%dma_start3A_140 : memref<128xi32, #tpu.memory_space<vmem>>) semaphore(%arg10 : memref<!tpu.dma_semaphore, #tpu.memory_space<semaphore_mem>>)
      %add3A_144 = arith.addi %mul3A_80, %add3A_127 : i32
      %mul3A_145 = arith.constant 128 : i32
      %mul3A_146 = arith.muli %add3A_144, %mul3A_145 : i32
      %multiple_of3A_147 = tpu.assume_multiple %mul3A_146, 128 : i32
      "tpu.region"() ({
        %run_scoped3A = tpu.sem_alloc : memref<!tpu.dma_semaphore, #tpu.memory_space<semaphore_mem>>
        %dma_start3A_172 = tpu.memref_slice %arg4[%multiple_of3A_147] : memref<327680xi32, #tpu.memory_space<hbm>> -> memref<128xi32, #tpu.memory_space<hbm>>
        %dma_start3A_173 = tpu.memref_slice %arg4[%multiple_of3A_147] : memref<327680xi32, #tpu.memory_space<hbm>> -> memref<128xi32, #tpu.memory_space<hbm>>
        tpu.enqueue_dma source(%dma_start3A_173 : memref<128xi32, #tpu.memory_space<hbm>>) target(%arg7 : memref<128xi32, #tpu.memory_space<vmem>>) target_semaphore(%run_scoped3A : memref<!tpu.dma_semaphore, #tpu.memory_space<semaphore_mem>>)
        %dma_wait3A_174 = tpu.memref_slice %arg4[%multiple_of3A_147] : memref<327680xi32, #tpu.memory_space<hbm>> -> memref<128xi32, #tpu.memory_space<hbm>>
        %dma_wait3A_175 = tpu.memref_slice %arg4[%multiple_of3A_147] : memref<327680xi32, #tpu.memory_space<hbm>> -> memref<128xi32, #tpu.memory_space<hbm>>
        tpu.wait_dma2 semaphore(%run_scoped3A : memref<!tpu.dma_semaphore, #tpu.memory_space<semaphore_mem>>) src(%dma_wait3A_175 : memref<128xi32, #tpu.memory_space<hbm>>) dst(%arg7 : memref<128xi32, #tpu.memory_space<vmem>>)
        tpu.yield
      }) : () -> ()
      "tpu.region"() ({
        %run_scoped3A = tpu.sem_alloc : memref<!tpu.dma_semaphore, #tpu.memory_space<semaphore_mem>>
        %dma_start3A_172 = arith.constant 0 : i32
        %dma_start3A_173 = arith.constant 0 : i32
        %dma_start3A_174 = tpu.memref_slice %arg11[%dma_start3A_172, %dma_start3A_173] : memref<10240x64xf32, #tpu.memory_space<vmem_shared>> -> memref<10240x64xf32, #tpu.memory_space<vmem_shared>>
        tpu.enqueue_indirect_dma source(%arg8 : memref<128x64xf32, #tpu.memory_space<vmem>>) target(%dma_start3A_174 : memref<10240x64xf32, #tpu.memory_space<vmem_shared>>) offsets(%arg7 : memref<128xi32, #tpu.memory_space<vmem>>) semaphore(%run_scoped3A : memref<!tpu.dma_semaphore, #tpu.memory_space<semaphore_mem>>) {add = true}
        %dma_wait3A_175 = arith.constant 0 : i32
        %dma_wait3A_176 = arith.constant 0 : i32
        %dma_wait3A_177 = tpu.memref_slice %arg11[%dma_wait3A_175, %dma_wait3A_176] : memref<10240x64xf32, #tpu.memory_space<vmem_shared>> -> memref<10240x64xf32, #tpu.memory_space<vmem_shared>>
        tpu.wait_indirect_dma semaphore(%run_scoped3A : memref<!tpu.dma_semaphore, #tpu.memory_space<semaphore_mem>>) src(%arg8 : memref<128x64xf32, #tpu.memory_space<vmem>>) dst(%dma_wait3A_177 : memref<10240x64xf32, #tpu.memory_space<vmem_shared>>)
        tpu.yield
      }) : () -> ()
      %mul3A_148 = arith.constant 2 : i32
      %mul3A_149 = arith.muli %mul3A_148, %scan3A_123 : i32
      %add3A_150 = arith.constant 1 : i32
      %add3A_151 = arith.addi %mul3A_149, %add3A_150 : i32
      %mul3A_152 = arith.constant 128 : i32
      %mul3A_153 = arith.muli %add3A_151, %mul3A_152 : i32
      %multiple_of3A_154 = tpu.assume_multiple %mul3A_153, 128 : i32
      %dma_wait3A_155 = tpu.memref_slice %arg6[%multiple_of3A_154] : memref<20480xi32, #tpu.memory_space<vmem>> -> memref<128xi32, #tpu.memory_space<vmem>>
      %dma_wait3A_156 = arith.constant 0 : i32
      %dma_wait3A_157 = arith.constant 0 : i32
      %dma_wait3A_158 = tpu.memref_slice %arg12[%dma_wait3A_156, %dma_wait3A_157] : memref<10240x64xf32, #tpu.memory_space<vmem_shared>> -> memref<10240x64xf32, #tpu.memory_space<vmem_shared>>
      tpu.wait_indirect_dma semaphore(%arg10 : memref<!tpu.dma_semaphore, #tpu.memory_space<semaphore_mem>>) src(%dma_wait3A_158 : memref<10240x64xf32, #tpu.memory_space<vmem_shared>>) dst(%arg9 : memref<128x64xf32, #tpu.memory_space<vmem>>)
      %add3A_159 = arith.constant 1 : i32
      %add3A_160 = arith.addi %add3A_151, %add3A_159 : i32
      %mul3A_161 = arith.constant 128 : i32
      %mul3A_162 = arith.muli %add3A_160, %mul3A_161 : i32
      %multiple_of3A_163 = tpu.assume_multiple %mul3A_162, 128 : i32
      %dma_start3A_164 = tpu.memref_slice %arg6[%multiple_of3A_163] : memref<20480xi32, #tpu.memory_space<vmem>> -> memref<128xi32, #tpu.memory_space<vmem>>
      %dma_start3A_165 = arith.constant 0 : i32
      %dma_start3A_166 = arith.constant 0 : i32
      %dma_start3A_167 = tpu.memref_slice %arg12[%dma_start3A_165, %dma_start3A_166] : memref<10240x64xf32, #tpu.memory_space<vmem_shared>> -> memref<10240x64xf32, #tpu.memory_space<vmem_shared>>
      tpu.enqueue_indirect_dma source(%dma_start3A_167 : memref<10240x64xf32, #tpu.memory_space<vmem_shared>>) target(%arg8 : memref<128x64xf32, #tpu.memory_space<vmem>>) offsets(%dma_start3A_164 : memref<128xi32, #tpu.memory_space<vmem>>) semaphore(%arg10 : memref<!tpu.dma_semaphore, #tpu.memory_space<semaphore_mem>>)
      %add3A_168 = arith.addi %mul3A_80, %add3A_151 : i32
      %mul3A_169 = arith.constant 128 : i32
      %mul3A_170 = arith.muli %add3A_168, %mul3A_169 : i32
      %multiple_of3A_171 = tpu.assume_multiple %mul3A_170, 128 : i32
      "tpu.region"() ({
        %run_scoped3A = tpu.sem_alloc : memref<!tpu.dma_semaphore, #tpu.memory_space<semaphore_mem>>
        %dma_start3A_172 = tpu.memref_slice %arg4[%multiple_of3A_171] : memref<327680xi32, #tpu.memory_space<hbm>> -> memref<128xi32, #tpu.memory_space<hbm>>
        %dma_start3A_173 = tpu.memref_slice %arg4[%multiple_of3A_171] : memref<327680xi32, #tpu.memory_space<hbm>> -> memref<128xi32, #tpu.memory_space<hbm>>
        tpu.enqueue_dma source(%dma_start3A_173 : memref<128xi32, #tpu.memory_space<hbm>>) target(%arg7 : memref<128xi32, #tpu.memory_space<vmem>>) target_semaphore(%run_scoped3A : memref<!tpu.dma_semaphore, #tpu.memory_space<semaphore_mem>>)
        %dma_wait3A_174 = tpu.memref_slice %arg4[%multiple_of3A_171] : memref<327680xi32, #tpu.memory_space<hbm>> -> memref<128xi32, #tpu.memory_space<hbm>>
        %dma_wait3A_175 = tpu.memref_slice %arg4[%multiple_of3A_171] : memref<327680xi32, #tpu.memory_space<hbm>> -> memref<128xi32, #tpu.memory_space<hbm>>
        tpu.wait_dma2 semaphore(%run_scoped3A : memref<!tpu.dma_semaphore, #tpu.memory_space<semaphore_mem>>) src(%dma_wait3A_175 : memref<128xi32, #tpu.memory_space<hbm>>) dst(%arg7 : memref<128xi32, #tpu.memory_space<vmem>>)
        tpu.yield
      }) : () -> ()
      "tpu.region"() ({
        %run_scoped3A = tpu.sem_alloc : memref<!tpu.dma_semaphore, #tpu.memory_space<semaphore_mem>>
        %dma_start3A_172 = arith.constant 0 : i32
        %dma_start3A_173 = arith.constant 0 : i32
        %dma_start3A_174 = tpu.memref_slice %arg11[%dma_start3A_172, %dma_start3A_173] : memref<10240x64xf32, #tpu.memory_space<vmem_shared>> -> memref<10240x64xf32, #tpu.memory_space<vmem_shared>>
        tpu.enqueue_indirect_dma source(%arg9 : memref<128x64xf32, #tpu.memory_space<vmem>>) target(%dma_start3A_174 : memref<10240x64xf32, #tpu.memory_space<vmem_shared>>) offsets(%arg7 : memref<128xi32, #tpu.memory_space<vmem>>) semaphore(%run_scoped3A : memref<!tpu.dma_semaphore, #tpu.memory_space<semaphore_mem>>) {add = true}
        %dma_wait3A_175 = arith.constant 0 : i32
        %dma_wait3A_176 = arith.constant 0 : i32
        %dma_wait3A_177 = tpu.memref_slice %arg11[%dma_wait3A_175, %dma_wait3A_176] : memref<10240x64xf32, #tpu.memory_space<vmem_shared>> -> memref<10240x64xf32, #tpu.memory_space<vmem_shared>>
        tpu.wait_indirect_dma semaphore(%run_scoped3A : memref<!tpu.dma_semaphore, #tpu.memory_space<semaphore_mem>>) src(%arg9 : memref<128x64xf32, #tpu.memory_space<vmem>>) dst(%dma_wait3A_177 : memref<10240x64xf32, #tpu.memory_space<vmem_shared>>)
        tpu.yield
      }) : () -> ()
    }
    %scan3A_93 = arith.constant 79 : i32
    %multiple_of3A_94 = arith.constant 20224 : i32
    %multiple_of3A_95 = tpu.assume_multiple %multiple_of3A_94, 128 : i32
    %dma_wait3A_96 = tpu.memref_slice %arg6[%multiple_of3A_95] : memref<20480xi32, #tpu.memory_space<vmem>> -> memref<128xi32, #tpu.memory_space<vmem>>
    %dma_wait3A_97 = arith.constant 0 : i32
    %dma_wait3A_98 = arith.constant 0 : i32
    %dma_wait3A_99 = tpu.memref_slice %arg12[%dma_wait3A_97, %dma_wait3A_98] : memref<10240x64xf32, #tpu.memory_space<vmem_shared>> -> memref<10240x64xf32, #tpu.memory_space<vmem_shared>>
    tpu.wait_indirect_dma semaphore(%arg10 : memref<!tpu.dma_semaphore, #tpu.memory_space<semaphore_mem>>) src(%dma_wait3A_99 : memref<10240x64xf32, #tpu.memory_space<vmem_shared>>) dst(%arg8 : memref<128x64xf32, #tpu.memory_space<vmem>>)
    %multiple_of3A_100 = arith.constant 20352 : i32
    %multiple_of3A_101 = tpu.assume_multiple %multiple_of3A_100, 128 : i32
    %dma_start3A_102 = tpu.memref_slice %arg6[%multiple_of3A_101] : memref<20480xi32, #tpu.memory_space<vmem>> -> memref<128xi32, #tpu.memory_space<vmem>>
    %dma_start3A_103 = arith.constant 0 : i32
    %dma_start3A_104 = arith.constant 0 : i32
    %dma_start3A_105 = tpu.memref_slice %arg12[%dma_start3A_103, %dma_start3A_104] : memref<10240x64xf32, #tpu.memory_space<vmem_shared>> -> memref<10240x64xf32, #tpu.memory_space<vmem_shared>>
    tpu.enqueue_indirect_dma source(%dma_start3A_105 : memref<10240x64xf32, #tpu.memory_space<vmem_shared>>) target(%arg9 : memref<128x64xf32, #tpu.memory_space<vmem>>) offsets(%dma_start3A_102 : memref<128xi32, #tpu.memory_space<vmem>>) semaphore(%arg10 : memref<!tpu.dma_semaphore, #tpu.memory_space<semaphore_mem>>)
    %add3A_106 = arith.constant 158 : i32
    %add3A_107 = arith.addi %mul3A_80, %add3A_106 : i32
    %mul3A_108 = arith.constant 128 : i32
    %mul3A_109 = arith.muli %add3A_107, %mul3A_108 : i32
    %multiple_of3A_110 = tpu.assume_multiple %mul3A_109, 128 : i32
    "tpu.region"() ({
      %run_scoped3A = tpu.sem_alloc : memref<!tpu.dma_semaphore, #tpu.memory_space<semaphore_mem>>
      %dma_start3A_123 = tpu.memref_slice %arg4[%multiple_of3A_110] : memref<327680xi32, #tpu.memory_space<hbm>> -> memref<128xi32, #tpu.memory_space<hbm>>
      %dma_start3A_124 = tpu.memref_slice %arg4[%multiple_of3A_110] : memref<327680xi32, #tpu.memory_space<hbm>> -> memref<128xi32, #tpu.memory_space<hbm>>
      tpu.enqueue_dma source(%dma_start3A_124 : memref<128xi32, #tpu.memory_space<hbm>>) target(%arg7 : memref<128xi32, #tpu.memory_space<vmem>>) target_semaphore(%run_scoped3A : memref<!tpu.dma_semaphore, #tpu.memory_space<semaphore_mem>>)
      %dma_wait3A_125 = tpu.memref_slice %arg4[%multiple_of3A_110] : memref<327680xi32, #tpu.memory_space<hbm>> -> memref<128xi32, #tpu.memory_space<hbm>>
      %dma_wait3A_126 = tpu.memref_slice %arg4[%multiple_of3A_110] : memref<327680xi32, #tpu.memory_space<hbm>> -> memref<128xi32, #tpu.memory_space<hbm>>
      tpu.wait_dma2 semaphore(%run_scoped3A : memref<!tpu.dma_semaphore, #tpu.memory_space<semaphore_mem>>) src(%dma_wait3A_126 : memref<128xi32, #tpu.memory_space<hbm>>) dst(%arg7 : memref<128xi32, #tpu.memory_space<vmem>>)
      tpu.yield
    }) : () -> ()
    "tpu.region"() ({
      %run_scoped3A = tpu.sem_alloc : memref<!tpu.dma_semaphore, #tpu.memory_space<semaphore_mem>>
      %dma_start3A_123 = arith.constant 0 : i32
      %dma_start3A_124 = arith.constant 0 : i32
      %dma_start3A_125 = tpu.memref_slice %arg11[%dma_start3A_123, %dma_start3A_124] : memref<10240x64xf32, #tpu.memory_space<vmem_shared>> -> memref<10240x64xf32, #tpu.memory_space<vmem_shared>>
      tpu.enqueue_indirect_dma source(%arg8 : memref<128x64xf32, #tpu.memory_space<vmem>>) target(%dma_start3A_125 : memref<10240x64xf32, #tpu.memory_space<vmem_shared>>) offsets(%arg7 : memref<128xi32, #tpu.memory_space<vmem>>) semaphore(%run_scoped3A : memref<!tpu.dma_semaphore, #tpu.memory_space<semaphore_mem>>) {add = true}
      %dma_wait3A_126 = arith.constant 0 : i32
      %dma_wait3A_127 = arith.constant 0 : i32
      %dma_wait3A_128 = tpu.memref_slice %arg11[%dma_wait3A_126, %dma_wait3A_127] : memref<10240x64xf32, #tpu.memory_space<vmem_shared>> -> memref<10240x64xf32, #tpu.memory_space<vmem_shared>>
      tpu.wait_indirect_dma semaphore(%run_scoped3A : memref<!tpu.dma_semaphore, #tpu.memory_space<semaphore_mem>>) src(%arg8 : memref<128x64xf32, #tpu.memory_space<vmem>>) dst(%dma_wait3A_128 : memref<10240x64xf32, #tpu.memory_space<vmem_shared>>)
      tpu.yield
    }) : () -> ()
    %multiple_of3A_111 = arith.constant 20352 : i32
    %multiple_of3A_112 = tpu.assume_multiple %multiple_of3A_111, 128 : i32
    %dma_wait3A_113 = tpu.memref_slice %arg6[%multiple_of3A_112] : memref<20480xi32, #tpu.memory_space<vmem>> -> memref<128xi32, #tpu.memory_space<vmem>>
    %dma_wait3A_114 = arith.constant 0 : i32
    %dma_wait3A_115 = arith.constant 0 : i32
    %dma_wait3A_116 = tpu.memref_slice %arg12[%dma_wait3A_114, %dma_wait3A_115] : memref<10240x64xf32, #tpu.memory_space<vmem_shared>> -> memref<10240x64xf32, #tpu.memory_space<vmem_shared>>
    tpu.wait_indirect_dma semaphore(%arg10 : memref<!tpu.dma_semaphore, #tpu.memory_space<semaphore_mem>>) src(%dma_wait3A_116 : memref<10240x64xf32, #tpu.memory_space<vmem_shared>>) dst(%arg9 : memref<128x64xf32, #tpu.memory_space<vmem>>)
    %add3A_117 = arith.constant 159 : i32
    %add3A_118 = arith.addi %mul3A_80, %add3A_117 : i32
    %mul3A_119 = arith.constant 128 : i32
    %mul3A_120 = arith.muli %add3A_118, %mul3A_119 : i32
    %multiple_of3A_121 = tpu.assume_multiple %mul3A_120, 128 : i32
    "tpu.region"() ({
      %run_scoped3A = tpu.sem_alloc : memref<!tpu.dma_semaphore, #tpu.memory_space<semaphore_mem>>
      %dma_start3A_123 = tpu.memref_slice %arg4[%multiple_of3A_121] : memref<327680xi32, #tpu.memory_space<hbm>> -> memref<128xi32, #tpu.memory_space<hbm>>
      %dma_start3A_124 = tpu.memref_slice %arg4[%multiple_of3A_121] : memref<327680xi32, #tpu.memory_space<hbm>> -> memref<128xi32, #tpu.memory_space<hbm>>
      tpu.enqueue_dma source(%dma_start3A_124 : memref<128xi32, #tpu.memory_space<hbm>>) target(%arg7 : memref<128xi32, #tpu.memory_space<vmem>>) target_semaphore(%run_scoped3A : memref<!tpu.dma_semaphore, #tpu.memory_space<semaphore_mem>>)
      %dma_wait3A_125 = tpu.memref_slice %arg4[%multiple_of3A_121] : memref<327680xi32, #tpu.memory_space<hbm>> -> memref<128xi32, #tpu.memory_space<hbm>>
      %dma_wait3A_126 = tpu.memref_slice %arg4[%multiple_of3A_121] : memref<327680xi32, #tpu.memory_space<hbm>> -> memref<128xi32, #tpu.memory_space<hbm>>
      tpu.wait_dma2 semaphore(%run_scoped3A : memref<!tpu.dma_semaphore, #tpu.memory_space<semaphore_mem>>) src(%dma_wait3A_126 : memref<128xi32, #tpu.memory_space<hbm>>) dst(%arg7 : memref<128xi32, #tpu.memory_space<vmem>>)
      tpu.yield
    }) : () -> ()
    "tpu.region"() ({
      %run_scoped3A = tpu.sem_alloc : memref<!tpu.dma_semaphore, #tpu.memory_space<semaphore_mem>>
      %dma_start3A_123 = arith.constant 0 : i32
      %dma_start3A_124 = arith.constant 0 : i32
      %dma_start3A_125 = tpu.memref_slice %arg11[%dma_start3A_123, %dma_start3A_124] : memref<10240x64xf32, #tpu.memory_space<vmem_shared>> -> memref<10240x64xf32, #tpu.memory_space<vmem_shared>>
      tpu.enqueue_indirect_dma source(%arg9 : memref<128x64xf32, #tpu.memory_space<vmem>>) target(%dma_start3A_125 : memref<10240x64xf32, #tpu.memory_space<vmem_shared>>) offsets(%arg7 : memref<128xi32, #tpu.memory_space<vmem>>) semaphore(%run_scoped3A : memref<!tpu.dma_semaphore, #tpu.memory_space<semaphore_mem>>) {add = true}
      %dma_wait3A_126 = arith.constant 0 : i32
      %dma_wait3A_127 = arith.constant 0 : i32
      %dma_wait3A_128 = tpu.memref_slice %arg11[%dma_wait3A_126, %dma_wait3A_127] : memref<10240x64xf32, #tpu.memory_space<vmem_shared>> -> memref<10240x64xf32, #tpu.memory_space<vmem_shared>>
      tpu.wait_indirect_dma semaphore(%run_scoped3A : memref<!tpu.dma_semaphore, #tpu.memory_space<semaphore_mem>>) src(%arg9 : memref<128x64xf32, #tpu.memory_space<vmem>>) dst(%dma_wait3A_128 : memref<10240x64xf32, #tpu.memory_space<vmem_shared>>)
      tpu.yield
    }) : () -> ()
    %barrier3A_122 = arith.constant 0 : index
    tpu.barrier barrier_id(%barrier3A_122)
    "tpu.region"() ({
      %run_scoped3A = tpu.sem_alloc : memref<!tpu.dma_semaphore, #tpu.memory_space<semaphore_mem>>
      %dma_start3A_123 = arith.constant 0 : i32
      %dma_start3A_124 = tpu.memref_slice %arg5[%arg0, %mul3A_0, %dma_start3A_123] : memref<2x10240x64xf32, #tpu.memory_space<hbm>> -> memref<1x640x64xf32, #tpu.memory_space<hbm>>
      %dma_start3A_125 = tpu.memref_squeeze %dma_start3A_124 : memref<1x640x64xf32, #tpu.memory_space<hbm>> -> memref<640x64xf32, #tpu.memory_space<hbm>>
      %dma_start3A_126 = arith.constant 0 : i32
      %dma_start3A_127 = tpu.memref_slice %arg11[%mul3A_0, %dma_start3A_126] : memref<10240x64xf32, #tpu.memory_space<vmem_shared>> -> memref<640x64xf32, #tpu.memory_space<vmem_shared>>
      tpu.enqueue_dma source(%dma_start3A_127 : memref<640x64xf32, #tpu.memory_space<vmem_shared>>) target(%dma_start3A_125 : memref<640x64xf32, #tpu.memory_space<hbm>>) target_semaphore(%run_scoped3A : memref<!tpu.dma_semaphore, #tpu.memory_space<semaphore_mem>>)
      %dma_wait3A_128 = arith.constant 0 : i32
      %dma_wait3A_129 = tpu.memref_slice %arg5[%arg0, %mul3A_0, %dma_wait3A_128] : memref<2x10240x64xf32, #tpu.memory_space<hbm>> -> memref<1x640x64xf32, #tpu.memory_space<hbm>>
      %dma_wait3A_130 = tpu.memref_squeeze %dma_wait3A_129 : memref<1x640x64xf32, #tpu.memory_space<hbm>> -> memref<640x64xf32, #tpu.memory_space<hbm>>
      %dma_wait3A_131 = arith.constant 0 : i32
      %dma_wait3A_132 = tpu.memref_slice %arg11[%mul3A_0, %dma_wait3A_131] : memref<10240x64xf32, #tpu.memory_space<vmem_shared>> -> memref<640x64xf32, #tpu.memory_space<vmem_shared>>
      tpu.wait_dma2 semaphore(%run_scoped3A : memref<!tpu.dma_semaphore, #tpu.memory_space<semaphore_mem>>) src(%dma_wait3A_132 : memref<640x64xf32, #tpu.memory_space<vmem_shared>>) dst(%dma_wait3A_130 : memref<640x64xf32, #tpu.memory_space<hbm>>)
      tpu.yield
    }) : () -> ()
    return
  }
}

#map = affine_map<(d0, d1) -> (0, 0)>
#map1 = affine_map<(d0, d1) -> (0)>
#map2 = affine_map<(d0, d1) -> (0, 0, 0)>
module attributes {stable_mosaic.version = 14 : i64} {
  func.func @_agg_call(%arg0: i32, %arg1: i32, %arg2: memref<20480x64xf32, #tpu.memory_space<hbm>>, %arg3: memref<327680xi32, #tpu.memory_space<hbm>>, %arg4: memref<327680xi32, #tpu.memory_space<hbm>>, %arg5: memref<2x10240x64xf32, #tpu.memory_space<hbm>>, %arg6: memref<20480xi32, #tpu.memory_space<vmem>>, %arg7: memref<128xi32, #tpu.memory_space<vmem>>, %arg8: memref<128x64xf32, #tpu.memory_space<vmem>>, %arg9: memref<128x64xf32, #tpu.memory_space<vmem>>, %arg10: memref<!tpu.dma_semaphore, #tpu.memory_space<semaphore_mem>>, %arg11: memref<10240x64xf32, #tpu.memory_space<vmem_shared>>, %arg12: memref<10240x64xf32, #tpu.memory_space<vmem_shared>>) attributes {dimension_semantics = [#tpu.dimension_semantics<core_parallel>, #tpu.dimension_semantics<subcore_parallel>], iteration_bounds = array<i64: 2, 16>, scalar_prefetch = 0 : i64, scratch_operands = 7 : i64, tpu.core_type = #tpu.core_type<sc_vector_subcore>, window_params = [{transform_indices = #map}, {transform_indices = #map1}, {transform_indices = #map1}, {transform_indices = #map2}]} {
    %mul3A = arith.constant 640 : i32
    %mul3A_0 = arith.muli %arg1, %mul3A : i32
    %scan3A = arith.constant 0 : i32
    %scan3A_1 = arith.constant 0 : i32
    %scan3A_2 = arith.constant 128 : i32
    %scan3A_3 = arith.addi %scan3A_1, %scan3A_2 : i32
    %scan3A_4 = arith.constant 1 : i32
    scf.for %scan3A_123 = %scan3A_1 to %scan3A_3 step %scan3A_4  : i32 {
      %broadcast_in_dim3A = arith.constant 0.000000e+00 : f32
      %broadcast_in_dim3A_124 = vector.broadcast %broadcast_in_dim3A : f32 to vector<16xf32>
      %swap3A = arith.index_cast %scan3A_123 : i32 to index
      %swap3A_125 = arith.constant 0 : index
      %swap3A_126 = tpu.vector_load %arg8[%swap3A, %swap3A_125] {strides = array<i32>} : memref<128x64xf32, #tpu.memory_space<vmem>>, vector<1x16xf32>,
      %swap3A_127 = vector.shape_cast %swap3A_126 : vector<1x16xf32> to vector<16xf32>
      %swap3A_128 = vector.shape_cast %broadcast_in_dim3A_124 : vector<16xf32> to vector<1x16xf32>
      tpu.vector_store %arg8[%swap3A, %swap3A_125], %swap3A_128 {strides = array<i32>} : memref<128x64xf32, #tpu.memory_space<vmem>>, vector<1x16xf32>,
      %broadcast_in_dim3A_129 = arith.constant 0.000000e+00 : f32
      %broadcast_in_dim3A_130 = vector.broadcast %broadcast_in_dim3A_129 : f32 to vector<16xf32>
      %swap3A_131 = arith.index_cast %scan3A_123 : i32 to index
      %swap3A_132 = arith.constant 16 : index
      %swap3A_133 = tpu.vector_load %arg8[%swap3A_131, %swap3A_132] {strides = array<i32>} : memref<128x64xf32, #tpu.memory_space<vmem>>, vector<1x16xf32>,
      %swap3A_134 = vector.shape_cast %swap3A_133 : vector<1x16xf32> to vector<16xf32>
      %swap3A_135 = vector.shape_cast %broadcast_in_dim3A_130 : vector<16xf32> to vector<1x16xf32>
      tpu.vector_store %arg8[%swap3A_131, %swap3A_132], %swap3A_135 {strides = array<i32>} : memref<128x64xf32, #tpu.memory_space<vmem>>, vector<1x16xf32>,
      %broadcast_in_dim3A_136 = arith.constant 0.000000e+00 : f32
      %broadcast_in_dim3A_137 = vector.broadcast %broadcast_in_dim3A_136 : f32 to vector<16xf32>
      %swap3A_138 = arith.index_cast %scan3A_123 : i32 to index
      %swap3A_139 = arith.constant 32 : index
      %swap3A_140 = tpu.vector_load %arg8[%swap3A_138, %swap3A_139] {strides = array<i32>} : memref<128x64xf32, #tpu.memory_space<vmem>>, vector<1x16xf32>,
      %swap3A_141 = vector.shape_cast %swap3A_140 : vector<1x16xf32> to vector<16xf32>
      %swap3A_142 = vector.shape_cast %broadcast_in_dim3A_137 : vector<16xf32> to vector<1x16xf32>
      tpu.vector_store %arg8[%swap3A_138, %swap3A_139], %swap3A_142 {strides = array<i32>} : memref<128x64xf32, #tpu.memory_space<vmem>>, vector<1x16xf32>,
      %broadcast_in_dim3A_143 = arith.constant 0.000000e+00 : f32
      %broadcast_in_dim3A_144 = vector.broadcast %broadcast_in_dim3A_143 : f32 to vector<16xf32>
      %swap3A_145 = arith.index_cast %scan3A_123 : i32 to index
      %swap3A_146 = arith.constant 48 : index
      %swap3A_147 = tpu.vector_load %arg8[%swap3A_145, %swap3A_146] {strides = array<i32>} : memref<128x64xf32, #tpu.memory_space<vmem>>, vector<1x16xf32>,
      %swap3A_148 = vector.shape_cast %swap3A_147 : vector<1x16xf32> to vector<16xf32>
      %swap3A_149 = vector.shape_cast %broadcast_in_dim3A_144 : vector<16xf32> to vector<1x16xf32>
      tpu.vector_store %arg8[%swap3A_145, %swap3A_146], %swap3A_149 {strides = array<i32>} : memref<128x64xf32, #tpu.memory_space<vmem>>, vector<1x16xf32>,
    }
    %scan3A_5 = arith.constant 128 : i32
    %add3A = arith.constant 0 : i32
    %add3A_6 = arith.addi %mul3A_0, %add3A : i32
    "tpu.region"() ({
      %run_scoped3A = tpu.sem_alloc : memref<!tpu.dma_semaphore, #tpu.memory_space<semaphore_mem>>
      %dma_start3A_123 = arith.constant 0 : i32
      %dma_start3A_124 = tpu.memref_slice %arg11[%add3A_6, %dma_start3A_123] : memref<10240x64xf32, #tpu.memory_space<vmem_shared>> -> memref<128x64xf32, #tpu.memory_space<vmem_shared>>
      %dma_start3A_125 = arith.constant 0 : i32
      %dma_start3A_126 = tpu.memref_slice %arg11[%add3A_6, %dma_start3A_125] : memref<10240x64xf32, #tpu.memory_space<vmem_shared>> -> memref<128x64xf32, #tpu.memory_space<vmem_shared>>
      tpu.enqueue_dma source(%arg8 : memref<128x64xf32, #tpu.memory_space<vmem>>) target(%dma_start3A_126 : memref<128x64xf32, #tpu.memory_space<vmem_shared>>) target_semaphore(%run_scoped3A : memref<!tpu.dma_semaphore, #tpu.memory_space<semaphore_mem>>)
      %dma_wait3A_127 = arith.constant 0 : i32
      %dma_wait3A_128 = tpu.memref_slice %arg11[%add3A_6, %dma_wait3A_127] : memref<10240x64xf32, #tpu.memory_space<vmem_shared>> -> memref<128x64xf32, #tpu.memory_space<vmem_shared>>
      %dma_wait3A_129 = arith.constant 0 : i32
      %dma_wait3A_130 = tpu.memref_slice %arg11[%add3A_6, %dma_wait3A_129] : memref<10240x64xf32, #tpu.memory_space<vmem_shared>> -> memref<128x64xf32, #tpu.memory_space<vmem_shared>>
      tpu.wait_dma2 semaphore(%run_scoped3A : memref<!tpu.dma_semaphore, #tpu.memory_space<semaphore_mem>>) src(%arg8 : memref<128x64xf32, #tpu.memory_space<vmem>>) dst(%dma_wait3A_130 : memref<128x64xf32, #tpu.memory_space<vmem_shared>>)
      tpu.yield
    }) : () -> ()
    %add3A_7 = arith.constant 128 : i32
    %add3A_8 = arith.addi %mul3A_0, %add3A_7 : i32
    "tpu.region"() ({
      %run_scoped3A = tpu.sem_alloc : memref<!tpu.dma_semaphore, #tpu.memory_space<semaphore_mem>>
      %dma_start3A_123 = arith.constant 0 : i32
      %dma_start3A_124 = tpu.memref_slice %arg11[%add3A_8, %dma_start3A_123] : memref<10240x64xf32, #tpu.memory_space<vmem_shared>> -> memref<128x64xf32, #tpu.memory_space<vmem_shared>>
      %dma_start3A_125 = arith.constant 0 : i32
      %dma_start3A_126 = tpu.memref_slice %arg11[%add3A_8, %dma_start3A_125] : memref<10240x64xf32, #tpu.memory_space<vmem_shared>> -> memref<128x64xf32, #tpu.memory_space<vmem_shared>>
      tpu.enqueue_dma source(%arg8 : memref<128x64xf32, #tpu.memory_space<vmem>>) target(%dma_start3A_126 : memref<128x64xf32, #tpu.memory_space<vmem_shared>>) target_semaphore(%run_scoped3A : memref<!tpu.dma_semaphore, #tpu.memory_space<semaphore_mem>>)
      %dma_wait3A_127 = arith.constant 0 : i32
      %dma_wait3A_128 = tpu.memref_slice %arg11[%add3A_8, %dma_wait3A_127] : memref<10240x64xf32, #tpu.memory_space<vmem_shared>> -> memref<128x64xf32, #tpu.memory_space<vmem_shared>>
      %dma_wait3A_129 = arith.constant 0 : i32
      %dma_wait3A_130 = tpu.memref_slice %arg11[%add3A_8, %dma_wait3A_129] : memref<10240x64xf32, #tpu.memory_space<vmem_shared>> -> memref<128x64xf32, #tpu.memory_space<vmem_shared>>
      tpu.wait_dma2 semaphore(%run_scoped3A : memref<!tpu.dma_semaphore, #tpu.memory_space<semaphore_mem>>) src(%arg8 : memref<128x64xf32, #tpu.memory_space<vmem>>) dst(%dma_wait3A_130 : memref<128x64xf32, #tpu.memory_space<vmem_shared>>)
      tpu.yield
    }) : () -> ()
    %add3A_9 = arith.constant 256 : i32
    %add3A_10 = arith.addi %mul3A_0, %add3A_9 : i32
    "tpu.region"() ({
      %run_scoped3A = tpu.sem_alloc : memref<!tpu.dma_semaphore, #tpu.memory_space<semaphore_mem>>
      %dma_start3A_123 = arith.constant 0 : i32
      %dma_start3A_124 = tpu.memref_slice %arg11[%add3A_10, %dma_start3A_123] : memref<10240x64xf32, #tpu.memory_space<vmem_shared>> -> memref<128x64xf32, #tpu.memory_space<vmem_shared>>
      %dma_start3A_125 = arith.constant 0 : i32
      %dma_start3A_126 = tpu.memref_slice %arg11[%add3A_10, %dma_start3A_125] : memref<10240x64xf32, #tpu.memory_space<vmem_shared>> -> memref<128x64xf32, #tpu.memory_space<vmem_shared>>
      tpu.enqueue_dma source(%arg8 : memref<128x64xf32, #tpu.memory_space<vmem>>) target(%dma_start3A_126 : memref<128x64xf32, #tpu.memory_space<vmem_shared>>) target_semaphore(%run_scoped3A : memref<!tpu.dma_semaphore, #tpu.memory_space<semaphore_mem>>)
      %dma_wait3A_127 = arith.constant 0 : i32
      %dma_wait3A_128 = tpu.memref_slice %arg11[%add3A_10, %dma_wait3A_127] : memref<10240x64xf32, #tpu.memory_space<vmem_shared>> -> memref<128x64xf32, #tpu.memory_space<vmem_shared>>
      %dma_wait3A_129 = arith.constant 0 : i32
      %dma_wait3A_130 = tpu.memref_slice %arg11[%add3A_10, %dma_wait3A_129] : memref<10240x64xf32, #tpu.memory_space<vmem_shared>> -> memref<128x64xf32, #tpu.memory_space<vmem_shared>>
      tpu.wait_dma2 semaphore(%run_scoped3A : memref<!tpu.dma_semaphore, #tpu.memory_space<semaphore_mem>>) src(%arg8 : memref<128x64xf32, #tpu.memory_space<vmem>>) dst(%dma_wait3A_130 : memref<128x64xf32, #tpu.memory_space<vmem_shared>>)
      tpu.yield
    }) : () -> ()
    %add3A_11 = arith.constant 384 : i32
    %add3A_12 = arith.addi %mul3A_0, %add3A_11 : i32
    "tpu.region"() ({
      %run_scoped3A = tpu.sem_alloc : memref<!tpu.dma_semaphore, #tpu.memory_space<semaphore_mem>>
      %dma_start3A_123 = arith.constant 0 : i32
      %dma_start3A_124 = tpu.memref_slice %arg11[%add3A_12, %dma_start3A_123] : memref<10240x64xf32, #tpu.memory_space<vmem_shared>> -> memref<128x64xf32, #tpu.memory_space<vmem_shared>>
      %dma_start3A_125 = arith.constant 0 : i32
      %dma_start3A_126 = tpu.memref_slice %arg11[%add3A_12, %dma_start3A_125] : memref<10240x64xf32, #tpu.memory_space<vmem_shared>> -> memref<128x64xf32, #tpu.memory_space<vmem_shared>>
      tpu.enqueue_dma source(%arg8 : memref<128x64xf32, #tpu.memory_space<vmem>>) target(%dma_start3A_126 : memref<128x64xf32, #tpu.memory_space<vmem_shared>>) target_semaphore(%run_scoped3A : memref<!tpu.dma_semaphore, #tpu.memory_space<semaphore_mem>>)
      %dma_wait3A_127 = arith.constant 0 : i32
      %dma_wait3A_128 = tpu.memref_slice %arg11[%add3A_12, %dma_wait3A_127] : memref<10240x64xf32, #tpu.memory_space<vmem_shared>> -> memref<128x64xf32, #tpu.memory_space<vmem_shared>>
      %dma_wait3A_129 = arith.constant 0 : i32
      %dma_wait3A_130 = tpu.memref_slice %arg11[%add3A_12, %dma_wait3A_129] : memref<10240x64xf32, #tpu.memory_space<vmem_shared>> -> memref<128x64xf32, #tpu.memory_space<vmem_shared>>
      tpu.wait_dma2 semaphore(%run_scoped3A : memref<!tpu.dma_semaphore, #tpu.memory_space<semaphore_mem>>) src(%arg8 : memref<128x64xf32, #tpu.memory_space<vmem>>) dst(%dma_wait3A_130 : memref<128x64xf32, #tpu.memory_space<vmem_shared>>)
      tpu.yield
    }) : () -> ()
    %add3A_13 = arith.constant 512 : i32
    %add3A_14 = arith.addi %mul3A_0, %add3A_13 : i32
    "tpu.region"() ({
      %run_scoped3A = tpu.sem_alloc : memref<!tpu.dma_semaphore, #tpu.memory_space<semaphore_mem>>
      %dma_start3A_123 = arith.constant 0 : i32
      %dma_start3A_124 = tpu.memref_slice %arg11[%add3A_14, %dma_start3A_123] : memref<10240x64xf32, #tpu.memory_space<vmem_shared>> -> memref<128x64xf32, #tpu.memory_space<vmem_shared>>
      %dma_start3A_125 = arith.constant 0 : i32
      %dma_start3A_126 = tpu.memref_slice %arg11[%add3A_14, %dma_start3A_125] : memref<10240x64xf32, #tpu.memory_space<vmem_shared>> -> memref<128x64xf32, #tpu.memory_space<vmem_shared>>
      tpu.enqueue_dma source(%arg8 : memref<128x64xf32, #tpu.memory_space<vmem>>) target(%dma_start3A_126 : memref<128x64xf32, #tpu.memory_space<vmem_shared>>) target_semaphore(%run_scoped3A : memref<!tpu.dma_semaphore, #tpu.memory_space<semaphore_mem>>)
      %dma_wait3A_127 = arith.constant 0 : i32
      %dma_wait3A_128 = tpu.memref_slice %arg11[%add3A_14, %dma_wait3A_127] : memref<10240x64xf32, #tpu.memory_space<vmem_shared>> -> memref<128x64xf32, #tpu.memory_space<vmem_shared>>
      %dma_wait3A_129 = arith.constant 0 : i32
      %dma_wait3A_130 = tpu.memref_slice %arg11[%add3A_14, %dma_wait3A_129] : memref<10240x64xf32, #tpu.memory_space<vmem_shared>> -> memref<128x64xf32, #tpu.memory_space<vmem_shared>>
      tpu.wait_dma2 semaphore(%run_scoped3A : memref<!tpu.dma_semaphore, #tpu.memory_space<semaphore_mem>>) src(%arg8 : memref<128x64xf32, #tpu.memory_space<vmem>>) dst(%dma_wait3A_130 : memref<128x64xf32, #tpu.memory_space<vmem_shared>>)
      tpu.yield
    }) : () -> ()
    %scan3A_15 = arith.constant 0 : i32
    %scan3A_16 = arith.constant 0 : i32
    %scan3A_17 = arith.constant 40 : i32
    %scan3A_18 = arith.addi %scan3A_16, %scan3A_17 : i32
    %scan3A_19 = arith.constant 1 : i32
    scf.for %scan3A_123 = %scan3A_16 to %scan3A_18 step %scan3A_19  : i32 {
      %mul3A_124 = arith.constant 16 : i32
      %mul3A_125 = arith.muli %scan3A_123, %mul3A_124 : i32
      %add3A_126 = arith.addi %mul3A_0, %mul3A_125 : i32
      %mul3A_127 = arith.constant 2 : i32
      %mul3A_128 = arith.muli %mul3A_127, %add3A_126 : i32
      %add3A_129 = arith.addi %mul3A_128, %arg0 : i32
      %iota3A = tpu.iota {dimensions = array<i32: 0>} : vector<16xi32>
      %mul3A_130 = arith.constant 2 : i32
      %mul3A_131 = vector.broadcast %mul3A_130 : i32 to vector<16xi32>
      %mul3A_132 = arith.muli %mul3A_131, %iota3A : vector<16xi32>
      %add3A_133 = vector.broadcast %add3A_129 : i32 to vector<16xi32>
      %add3A_134 = arith.addi %add3A_133, %mul3A_132 : vector<16xi32>
      %mul3A_135 = arith.constant 16 : i32
      %mul3A_136 = arith.muli %scan3A_123, %mul3A_135 : i32
      %swap3A = arith.index_cast %mul3A_136 : i32 to index
      %swap3A_137 = tpu.vector_load %arg6[%swap3A] {strides = array<i32>} : memref<20480xi32, #tpu.memory_space<vmem>>, vector<16xi32>,
      %swap3A_138 = vector.shape_cast %swap3A_137 : vector<16xi32> to vector<16xi32>
      %swap3A_139 = vector.shape_cast %add3A_134 : vector<16xi32> to vector<16xi32>
      tpu.vector_store %arg6[%swap3A], %swap3A_139 {strides = array<i32>} : memref<20480xi32, #tpu.memory_space<vmem>>, vector<16xi32>,
    }
    %scan3A_20 = arith.constant 40 : i32
    %dma_start3A = arith.constant 0 : i32
    %dma_start3A_21 = tpu.memref_slice %arg6[%dma_start3A] : memref<20480xi32, #tpu.memory_space<vmem>> -> memref<128xi32, #tpu.memory_space<vmem>>
    %dma_start3A_22 = arith.constant 0 : i32
    %dma_start3A_23 = arith.constant 0 : i32
    %dma_start3A_24 = tpu.memref_slice %arg2[%dma_start3A_22, %dma_start3A_23] : memref<20480x64xf32, #tpu.memory_space<hbm>> -> memref<20480x64xf32, #tpu.memory_space<hbm>>
    tpu.enqueue_indirect_dma source(%dma_start3A_24 : memref<20480x64xf32, #tpu.memory_space<hbm>>) target(%arg9 : memref<128x64xf32, #tpu.memory_space<vmem>>) offsets(%dma_start3A_21 : memref<128xi32, #tpu.memory_space<vmem>>) semaphore(%arg10 : memref<!tpu.dma_semaphore, #tpu.memory_space<semaphore_mem>>)
    %dma_wait3A = arith.constant 0 : i32
    %dma_wait3A_25 = tpu.memref_slice %arg6[%dma_wait3A] : memref<20480xi32, #tpu.memory_space<vmem>> -> memref<128xi32, #tpu.memory_space<vmem>>
    %dma_wait3A_26 = arith.constant 0 : i32
    %dma_wait3A_27 = arith.constant 0 : i32
    %dma_wait3A_28 = tpu.memref_slice %arg2[%dma_wait3A_26, %dma_wait3A_27] : memref<20480x64xf32, #tpu.memory_space<hbm>> -> memref<20480x64xf32, #tpu.memory_space<hbm>>
    tpu.wait_indirect_dma semaphore(%arg10 : memref<!tpu.dma_semaphore, #tpu.memory_space<semaphore_mem>>) src(%dma_wait3A_28 : memref<20480x64xf32, #tpu.memory_space<hbm>>) dst(%arg9 : memref<128x64xf32, #tpu.memory_space<vmem>>)
    %add3A_29 = arith.constant 0 : i32
    %add3A_30 = arith.addi %mul3A_0, %add3A_29 : i32
    "tpu.region"() ({
      %run_scoped3A = tpu.sem_alloc : memref<!tpu.dma_semaphore, #tpu.memory_space<semaphore_mem>>
      %dma_start3A_123 = arith.constant 0 : i32
      %dma_start3A_124 = tpu.memref_slice %arg12[%add3A_30, %dma_start3A_123] : memref<10240x64xf32, #tpu.memory_space<vmem_shared>> -> memref<128x64xf32, #tpu.memory_space<vmem_shared>>
      %dma_start3A_125 = arith.constant 0 : i32
      %dma_start3A_126 = tpu.memref_slice %arg12[%add3A_30, %dma_start3A_125] : memref<10240x64xf32, #tpu.memory_space<vmem_shared>> -> memref<128x64xf32, #tpu.memory_space<vmem_shared>>
      tpu.enqueue_dma source(%arg9 : memref<128x64xf32, #tpu.memory_space<vmem>>) target(%dma_start3A_126 : memref<128x64xf32, #tpu.memory_space<vmem_shared>>) target_semaphore(%run_scoped3A : memref<!tpu.dma_semaphore, #tpu.memory_space<semaphore_mem>>)
      %dma_wait3A_127 = arith.constant 0 : i32
      %dma_wait3A_128 = tpu.memref_slice %arg12[%add3A_30, %dma_wait3A_127] : memref<10240x64xf32, #tpu.memory_space<vmem_shared>> -> memref<128x64xf32, #tpu.memory_space<vmem_shared>>
      %dma_wait3A_129 = arith.constant 0 : i32
      %dma_wait3A_130 = tpu.memref_slice %arg12[%add3A_30, %dma_wait3A_129] : memref<10240x64xf32, #tpu.memory_space<vmem_shared>> -> memref<128x64xf32, #tpu.memory_space<vmem_shared>>
      tpu.wait_dma2 semaphore(%run_scoped3A : memref<!tpu.dma_semaphore, #tpu.memory_space<semaphore_mem>>) src(%arg9 : memref<128x64xf32, #tpu.memory_space<vmem>>) dst(%dma_wait3A_130 : memref<128x64xf32, #tpu.memory_space<vmem_shared>>)
      tpu.yield
    }) : () -> ()
    %dma_start3A_31 = arith.constant 128 : i32
    %dma_start3A_32 = tpu.memref_slice %arg6[%dma_start3A_31] : memref<20480xi32, #tpu.memory_space<vmem>> -> memref<128xi32, #tpu.memory_space<vmem>>
    %dma_start3A_33 = arith.constant 0 : i32
    %dma_start3A_34 = arith.constant 0 : i32
    %dma_start3A_35 = tpu.memref_slice %arg2[%dma_start3A_33, %dma_start3A_34] : memref<20480x64xf32, #tpu.memory_space<hbm>> -> memref<20480x64xf32, #tpu.memory_space<hbm>>
    tpu.enqueue_indirect_dma source(%dma_start3A_35 : memref<20480x64xf32, #tpu.memory_space<hbm>>) target(%arg9 : memref<128x64xf32, #tpu.memory_space<vmem>>) offsets(%dma_start3A_32 : memref<128xi32, #tpu.memory_space<vmem>>) semaphore(%arg10 : memref<!tpu.dma_semaphore, #tpu.memory_space<semaphore_mem>>)
    %dma_wait3A_36 = arith.constant 128 : i32
    %dma_wait3A_37 = tpu.memref_slice %arg6[%dma_wait3A_36] : memref<20480xi32, #tpu.memory_space<vmem>> -> memref<128xi32, #tpu.memory_space<vmem>>
    %dma_wait3A_38 = arith.constant 0 : i32
    %dma_wait3A_39 = arith.constant 0 : i32
    %dma_wait3A_40 = tpu.memref_slice %arg2[%dma_wait3A_38, %dma_wait3A_39] : memref<20480x64xf32, #tpu.memory_space<hbm>> -> memref<20480x64xf32, #tpu.memory_space<hbm>>
    tpu.wait_indirect_dma semaphore(%arg10 : memref<!tpu.dma_semaphore, #tpu.memory_space<semaphore_mem>>) src(%dma_wait3A_40 : memref<20480x64xf32, #tpu.memory_space<hbm>>) dst(%arg9 : memref<128x64xf32, #tpu.memory_space<vmem>>)
    %add3A_41 = arith.constant 128 : i32
    %add3A_42 = arith.addi %mul3A_0, %add3A_41 : i32
    "tpu.region"() ({
      %run_scoped3A = tpu.sem_alloc : memref<!tpu.dma_semaphore, #tpu.memory_space<semaphore_mem>>
      %dma_start3A_123 = arith.constant 0 : i32
      %dma_start3A_124 = tpu.memref_slice %arg12[%add3A_42, %dma_start3A_123] : memref<10240x64xf32, #tpu.memory_space<vmem_shared>> -> memref<128x64xf32, #tpu.memory_space<vmem_shared>>
      %dma_start3A_125 = arith.constant 0 : i32
      %dma_start3A_126 = tpu.memref_slice %arg12[%add3A_42, %dma_start3A_125] : memref<10240x64xf32, #tpu.memory_space<vmem_shared>> -> memref<128x64xf32, #tpu.memory_space<vmem_shared>>
      tpu.enqueue_dma source(%arg9 : memref<128x64xf32, #tpu.memory_space<vmem>>) target(%dma_start3A_126 : memref<128x64xf32, #tpu.memory_space<vmem_shared>>) target_semaphore(%run_scoped3A : memref<!tpu.dma_semaphore, #tpu.memory_space<semaphore_mem>>)
      %dma_wait3A_127 = arith.constant 0 : i32
      %dma_wait3A_128 = tpu.memref_slice %arg12[%add3A_42, %dma_wait3A_127] : memref<10240x64xf32, #tpu.memory_space<vmem_shared>> -> memref<128x64xf32, #tpu.memory_space<vmem_shared>>
      %dma_wait3A_129 = arith.constant 0 : i32
      %dma_wait3A_130 = tpu.memref_slice %arg12[%add3A_42, %dma_wait3A_129] : memref<10240x64xf32, #tpu.memory_space<vmem_shared>> -> memref<128x64xf32, #tpu.memory_space<vmem_shared>>
      tpu.wait_dma2 semaphore(%run_scoped3A : memref<!tpu.dma_semaphore, #tpu.memory_space<semaphore_mem>>) src(%arg9 : memref<128x64xf32, #tpu.memory_space<vmem>>) dst(%dma_wait3A_130 : memref<128x64xf32, #tpu.memory_space<vmem_shared>>)
      tpu.yield
    }) : () -> ()
    %dma_start3A_43 = arith.constant 256 : i32
    %dma_start3A_44 = tpu.memref_slice %arg6[%dma_start3A_43] : memref<20480xi32, #tpu.memory_space<vmem>> -> memref<128xi32, #tpu.memory_space<vmem>>
    %dma_start3A_45 = arith.constant 0 : i32
    %dma_start3A_46 = arith.constant 0 : i32
    %dma_start3A_47 = tpu.memref_slice %arg2[%dma_start3A_45, %dma_start3A_46] : memref<20480x64xf32, #tpu.memory_space<hbm>> -> memref<20480x64xf32, #tpu.memory_space<hbm>>
    tpu.enqueue_indirect_dma source(%dma_start3A_47 : memref<20480x64xf32, #tpu.memory_space<hbm>>) target(%arg9 : memref<128x64xf32, #tpu.memory_space<vmem>>) offsets(%dma_start3A_44 : memref<128xi32, #tpu.memory_space<vmem>>) semaphore(%arg10 : memref<!tpu.dma_semaphore, #tpu.memory_space<semaphore_mem>>)
    %dma_wait3A_48 = arith.constant 256 : i32
    %dma_wait3A_49 = tpu.memref_slice %arg6[%dma_wait3A_48] : memref<20480xi32, #tpu.memory_space<vmem>> -> memref<128xi32, #tpu.memory_space<vmem>>
    %dma_wait3A_50 = arith.constant 0 : i32
    %dma_wait3A_51 = arith.constant 0 : i32
    %dma_wait3A_52 = tpu.memref_slice %arg2[%dma_wait3A_50, %dma_wait3A_51] : memref<20480x64xf32, #tpu.memory_space<hbm>> -> memref<20480x64xf32, #tpu.memory_space<hbm>>
    tpu.wait_indirect_dma semaphore(%arg10 : memref<!tpu.dma_semaphore, #tpu.memory_space<semaphore_mem>>) src(%dma_wait3A_52 : memref<20480x64xf32, #tpu.memory_space<hbm>>) dst(%arg9 : memref<128x64xf32, #tpu.memory_space<vmem>>)
    %add3A_53 = arith.constant 256 : i32
    %add3A_54 = arith.addi %mul3A_0, %add3A_53 : i32
    "tpu.region"() ({
      %run_scoped3A = tpu.sem_alloc : memref<!tpu.dma_semaphore, #tpu.memory_space<semaphore_mem>>
      %dma_start3A_123 = arith.constant 0 : i32
      %dma_start3A_124 = tpu.memref_slice %arg12[%add3A_54, %dma_start3A_123] : memref<10240x64xf32, #tpu.memory_space<vmem_shared>> -> memref<128x64xf32, #tpu.memory_space<vmem_shared>>
      %dma_start3A_125 = arith.constant 0 : i32
      %dma_start3A_126 = tpu.memref_slice %arg12[%add3A_54, %dma_start3A_125] : memref<10240x64xf32, #tpu.memory_space<vmem_shared>> -> memref<128x64xf32, #tpu.memory_space<vmem_shared>>
      tpu.enqueue_dma source(%arg9 : memref<128x64xf32, #tpu.memory_space<vmem>>) target(%dma_start3A_126 : memref<128x64xf32, #tpu.memory_space<vmem_shared>>) target_semaphore(%run_scoped3A : memref<!tpu.dma_semaphore, #tpu.memory_space<semaphore_mem>>)
      %dma_wait3A_127 = arith.constant 0 : i32
      %dma_wait3A_128 = tpu.memref_slice %arg12[%add3A_54, %dma_wait3A_127] : memref<10240x64xf32, #tpu.memory_space<vmem_shared>> -> memref<128x64xf32, #tpu.memory_space<vmem_shared>>
      %dma_wait3A_129 = arith.constant 0 : i32
      %dma_wait3A_130 = tpu.memref_slice %arg12[%add3A_54, %dma_wait3A_129] : memref<10240x64xf32, #tpu.memory_space<vmem_shared>> -> memref<128x64xf32, #tpu.memory_space<vmem_shared>>
      tpu.wait_dma2 semaphore(%run_scoped3A : memref<!tpu.dma_semaphore, #tpu.memory_space<semaphore_mem>>) src(%arg9 : memref<128x64xf32, #tpu.memory_space<vmem>>) dst(%dma_wait3A_130 : memref<128x64xf32, #tpu.memory_space<vmem_shared>>)
      tpu.yield
    }) : () -> ()
    %dma_start3A_55 = arith.constant 384 : i32
    %dma_start3A_56 = tpu.memref_slice %arg6[%dma_start3A_55] : memref<20480xi32, #tpu.memory_space<vmem>> -> memref<128xi32, #tpu.memory_space<vmem>>
    %dma_start3A_57 = arith.constant 0 : i32
    %dma_start3A_58 = arith.constant 0 : i32
    %dma_start3A_59 = tpu.memref_slice %arg2[%dma_start3A_57, %dma_start3A_58] : memref<20480x64xf32, #tpu.memory_space<hbm>> -> memref<20480x64xf32, #tpu.memory_space<hbm>>
    tpu.enqueue_indirect_dma source(%dma_start3A_59 : memref<20480x64xf32, #tpu.memory_space<hbm>>) target(%arg9 : memref<128x64xf32, #tpu.memory_space<vmem>>) offsets(%dma_start3A_56 : memref<128xi32, #tpu.memory_space<vmem>>) semaphore(%arg10 : memref<!tpu.dma_semaphore, #tpu.memory_space<semaphore_mem>>)
    %dma_wait3A_60 = arith.constant 384 : i32
    %dma_wait3A_61 = tpu.memref_slice %arg6[%dma_wait3A_60] : memref<20480xi32, #tpu.memory_space<vmem>> -> memref<128xi32, #tpu.memory_space<vmem>>
    %dma_wait3A_62 = arith.constant 0 : i32
    %dma_wait3A_63 = arith.constant 0 : i32
    %dma_wait3A_64 = tpu.memref_slice %arg2[%dma_wait3A_62, %dma_wait3A_63] : memref<20480x64xf32, #tpu.memory_space<hbm>> -> memref<20480x64xf32, #tpu.memory_space<hbm>>
    tpu.wait_indirect_dma semaphore(%arg10 : memref<!tpu.dma_semaphore, #tpu.memory_space<semaphore_mem>>) src(%dma_wait3A_64 : memref<20480x64xf32, #tpu.memory_space<hbm>>) dst(%arg9 : memref<128x64xf32, #tpu.memory_space<vmem>>)
    %add3A_65 = arith.constant 384 : i32
    %add3A_66 = arith.addi %mul3A_0, %add3A_65 : i32
    "tpu.region"() ({
      %run_scoped3A = tpu.sem_alloc : memref<!tpu.dma_semaphore, #tpu.memory_space<semaphore_mem>>
      %dma_start3A_123 = arith.constant 0 : i32
      %dma_start3A_124 = tpu.memref_slice %arg12[%add3A_66, %dma_start3A_123] : memref<10240x64xf32, #tpu.memory_space<vmem_shared>> -> memref<128x64xf32, #tpu.memory_space<vmem_shared>>
      %dma_start3A_125 = arith.constant 0 : i32
      %dma_start3A_126 = tpu.memref_slice %arg12[%add3A_66, %dma_start3A_125] : memref<10240x64xf32, #tpu.memory_space<vmem_shared>> -> memref<128x64xf32, #tpu.memory_space<vmem_shared>>
      tpu.enqueue_dma source(%arg9 : memref<128x64xf32, #tpu.memory_space<vmem>>) target(%dma_start3A_126 : memref<128x64xf32, #tpu.memory_space<vmem_shared>>) target_semaphore(%run_scoped3A : memref<!tpu.dma_semaphore, #tpu.memory_space<semaphore_mem>>)
      %dma_wait3A_127 = arith.constant 0 : i32
      %dma_wait3A_128 = tpu.memref_slice %arg12[%add3A_66, %dma_wait3A_127] : memref<10240x64xf32, #tpu.memory_space<vmem_shared>> -> memref<128x64xf32, #tpu.memory_space<vmem_shared>>
      %dma_wait3A_129 = arith.constant 0 : i32
      %dma_wait3A_130 = tpu.memref_slice %arg12[%add3A_66, %dma_wait3A_129] : memref<10240x64xf32, #tpu.memory_space<vmem_shared>> -> memref<128x64xf32, #tpu.memory_space<vmem_shared>>
      tpu.wait_dma2 semaphore(%run_scoped3A : memref<!tpu.dma_semaphore, #tpu.memory_space<semaphore_mem>>) src(%arg9 : memref<128x64xf32, #tpu.memory_space<vmem>>) dst(%dma_wait3A_130 : memref<128x64xf32, #tpu.memory_space<vmem_shared>>)
      tpu.yield
    }) : () -> ()
    %dma_start3A_67 = arith.constant 512 : i32
    %dma_start3A_68 = tpu.memref_slice %arg6[%dma_start3A_67] : memref<20480xi32, #tpu.memory_space<vmem>> -> memref<128xi32, #tpu.memory_space<vmem>>
    %dma_start3A_69 = arith.constant 0 : i32
    %dma_start3A_70 = arith.constant 0 : i32
    %dma_start3A_71 = tpu.memref_slice %arg2[%dma_start3A_69, %dma_start3A_70] : memref<20480x64xf32, #tpu.memory_space<hbm>> -> memref<20480x64xf32, #tpu.memory_space<hbm>>
    tpu.enqueue_indirect_dma source(%dma_start3A_71 : memref<20480x64xf32, #tpu.memory_space<hbm>>) target(%arg9 : memref<128x64xf32, #tpu.memory_space<vmem>>) offsets(%dma_start3A_68 : memref<128xi32, #tpu.memory_space<vmem>>) semaphore(%arg10 : memref<!tpu.dma_semaphore, #tpu.memory_space<semaphore_mem>>)
    %dma_wait3A_72 = arith.constant 512 : i32
    %dma_wait3A_73 = tpu.memref_slice %arg6[%dma_wait3A_72] : memref<20480xi32, #tpu.memory_space<vmem>> -> memref<128xi32, #tpu.memory_space<vmem>>
    %dma_wait3A_74 = arith.constant 0 : i32
    %dma_wait3A_75 = arith.constant 0 : i32
    %dma_wait3A_76 = tpu.memref_slice %arg2[%dma_wait3A_74, %dma_wait3A_75] : memref<20480x64xf32, #tpu.memory_space<hbm>> -> memref<20480x64xf32, #tpu.memory_space<hbm>>
    tpu.wait_indirect_dma semaphore(%arg10 : memref<!tpu.dma_semaphore, #tpu.memory_space<semaphore_mem>>) src(%dma_wait3A_76 : memref<20480x64xf32, #tpu.memory_space<hbm>>) dst(%arg9 : memref<128x64xf32, #tpu.memory_space<vmem>>)
    %add3A_77 = arith.constant 512 : i32
    %add3A_78 = arith.addi %mul3A_0, %add3A_77 : i32
    "tpu.region"() ({
      %run_scoped3A = tpu.sem_alloc : memref<!tpu.dma_semaphore, #tpu.memory_space<semaphore_mem>>
      %dma_start3A_123 = arith.constant 0 : i32
      %dma_start3A_124 = tpu.memref_slice %arg12[%add3A_78, %dma_start3A_123] : memref<10240x64xf32, #tpu.memory_space<vmem_shared>> -> memref<128x64xf32, #tpu.memory_space<vmem_shared>>
      %dma_start3A_125 = arith.constant 0 : i32
      %dma_start3A_126 = tpu.memref_slice %arg12[%add3A_78, %dma_start3A_125] : memref<10240x64xf32, #tpu.memory_space<vmem_shared>> -> memref<128x64xf32, #tpu.memory_space<vmem_shared>>
      tpu.enqueue_dma source(%arg9 : memref<128x64xf32, #tpu.memory_space<vmem>>) target(%dma_start3A_126 : memref<128x64xf32, #tpu.memory_space<vmem_shared>>) target_semaphore(%run_scoped3A : memref<!tpu.dma_semaphore, #tpu.memory_space<semaphore_mem>>)
      %dma_wait3A_127 = arith.constant 0 : i32
      %dma_wait3A_128 = tpu.memref_slice %arg12[%add3A_78, %dma_wait3A_127] : memref<10240x64xf32, #tpu.memory_space<vmem_shared>> -> memref<128x64xf32, #tpu.memory_space<vmem_shared>>
      %dma_wait3A_129 = arith.constant 0 : i32
      %dma_wait3A_130 = tpu.memref_slice %arg12[%add3A_78, %dma_wait3A_129] : memref<10240x64xf32, #tpu.memory_space<vmem_shared>> -> memref<128x64xf32, #tpu.memory_space<vmem_shared>>
      tpu.wait_dma2 semaphore(%run_scoped3A : memref<!tpu.dma_semaphore, #tpu.memory_space<semaphore_mem>>) src(%arg9 : memref<128x64xf32, #tpu.memory_space<vmem>>) dst(%dma_wait3A_130 : memref<128x64xf32, #tpu.memory_space<vmem_shared>>)
      tpu.yield
    }) : () -> ()
    %barrier3A = arith.constant 0 : index
    tpu.barrier barrier_id(%barrier3A)
    %mul3A_79 = arith.constant 160 : i32
    %mul3A_80 = arith.muli %arg1, %mul3A_79 : i32
    %mul3A_81 = arith.constant 128 : i32
    %mul3A_82 = arith.muli %mul3A_80, %mul3A_81 : i32
    "tpu.region"() ({
      %run_scoped3A = tpu.sem_alloc : memref<!tpu.dma_semaphore, #tpu.memory_space<semaphore_mem>>
      %dma_start3A_123 = tpu.memref_slice %arg3[%mul3A_82] : memref<327680xi32, #tpu.memory_space<hbm>> -> memref<20480xi32, #tpu.memory_space<hbm>>
      %dma_start3A_124 = tpu.memref_slice %arg3[%mul3A_82] : memref<327680xi32, #tpu.memory_space<hbm>> -> memref<20480xi32, #tpu.memory_space<hbm>>
      tpu.enqueue_dma source(%dma_start3A_124 : memref<20480xi32, #tpu.memory_space<hbm>>) target(%arg6 : memref<20480xi32, #tpu.memory_space<vmem>>) target_semaphore(%run_scoped3A : memref<!tpu.dma_semaphore, #tpu.memory_space<semaphore_mem>>)
      %dma_wait3A_125 = tpu.memref_slice %arg3[%mul3A_82] : memref<327680xi32, #tpu.memory_space<hbm>> -> memref<20480xi32, #tpu.memory_space<hbm>>
      %dma_wait3A_126 = tpu.memref_slice %arg3[%mul3A_82] : memref<327680xi32, #tpu.memory_space<hbm>> -> memref<20480xi32, #tpu.memory_space<hbm>>
      tpu.wait_dma2 semaphore(%run_scoped3A : memref<!tpu.dma_semaphore, #tpu.memory_space<semaphore_mem>>) src(%dma_wait3A_126 : memref<20480xi32, #tpu.memory_space<hbm>>) dst(%arg6 : memref<20480xi32, #tpu.memory_space<vmem>>)
      tpu.yield
    }) : () -> ()
    %multiple_of3A = arith.constant 0 : i32
    %multiple_of3A_83 = tpu.assume_multiple %multiple_of3A, 128 : i32
    %dma_start3A_84 = tpu.memref_slice %arg6[%multiple_of3A_83] : memref<20480xi32, #tpu.memory_space<vmem>> -> memref<128xi32, #tpu.memory_space<vmem>>
    %dma_start3A_85 = arith.constant 0 : i32
    %dma_start3A_86 = arith.constant 0 : i32
    %dma_start3A_87 = tpu.memref_slice %arg12[%dma_start3A_85, %dma_start3A_86] : memref<10240x64xf32, #tpu.memory_space<vmem_shared>> -> memref<10240x64xf32, #tpu.memory_space<vmem_shared>>
    tpu.enqueue_indirect_dma source(%dma_start3A_87 : memref<10240x64xf32, #tpu.memory_space<vmem_shared>>) target(%arg8 : memref<128x64xf32, #tpu.memory_space<vmem>>) offsets(%dma_start3A_84 : memref<128xi32, #tpu.memory_space<vmem>>) semaphore(%arg10 : memref<!tpu.dma_semaphore, #tpu.memory_space<semaphore_mem>>)
    %scan3A_88 = arith.constant 0 : i32
    %scan3A_89 = arith.constant 0 : i32
    %scan3A_90 = arith.constant 79 : i32
    %scan3A_91 = arith.addi %scan3A_89, %scan3A_90 : i32
    %scan3A_92 = arith.constant 1 : i32
    scf.for %scan3A_123 = %scan3A_89 to %scan3A_91 step %scan3A_92  : i32 {
      %mul3A_124 = arith.constant 2 : i32
      %mul3A_125 = arith.muli %mul3A_124, %scan3A_123 : i32
      %add3A_126 = arith.constant 0 : i32
      %add3A_127 = arith.addi %mul3A_125, %add3A_126 : i32
      %mul3A_128 = arith.constant 128 : i32
      %mul3A_129 = arith.muli %add3A_127, %mul3A_128 : i32
      %multiple_of3A_130 = tpu.assume_multiple %mul3A_129, 128 : i32
      %dma_wait3A_131 = tpu.memref_slice %arg6[%multiple_of3A_130] : memref<20480xi32, #tpu.memory_space<vmem>> -> memref<128xi32, #tpu.memory_space<vmem>>
      %dma_wait3A_132 = arith.constant 0 : i32
      %dma_wait3A_133 = arith.constant 0 : i32
      %dma_wait3A_134 = tpu.memref_slice %arg12[%dma_wait3A_132, %dma_wait3A_133] : memref<10240x64xf32, #tpu.memory_space<vmem_shared>> -> memref<10240x64xf32, #tpu.memory_space<vmem_shared>>
      tpu.wait_indirect_dma semaphore(%arg10 : memref<!tpu.dma_semaphore, #tpu.memory_space<semaphore_mem>>) src(%dma_wait3A_134 : memref<10240x64xf32, #tpu.memory_space<vmem_shared>>) dst(%arg8 : memref<128x64xf32, #tpu.memory_space<vmem>>)
      %add3A_135 = arith.constant 1 : i32
      %add3A_136 = arith.addi %add3A_127, %add3A_135 : i32
      %mul3A_137 = arith.constant 128 : i32
      %mul3A_138 = arith.muli %add3A_136, %mul3A_137 : i32
      %multiple_of3A_139 = tpu.assume_multiple %mul3A_138, 128 : i32
      %dma_start3A_140 = tpu.memref_slice %arg6[%multiple_of3A_139] : memref<20480xi32, #tpu.memory_space<vmem>> -> memref<128xi32, #tpu.memory_space<vmem>>
      %dma_start3A_141 = arith.constant 0 : i32
      %dma_start3A_142 = arith.constant 0 : i32
      %dma_start3A_143 = tpu.memref_slice %arg12[%dma_start3A_141, %dma_start3A_142] : memref<10240x64xf32, #tpu.memory_space<vmem_shared>> -> memref<10240x64xf32, #tpu.memory_space<vmem_shared>>
      tpu.enqueue_indirect_dma source(%dma_start3A_143 : memref<10240x64xf32, #tpu.memory_space<vmem_shared>>) target(%arg9 : memref<128x64xf32, #tpu.memory_space<vmem>>) offsets(%dma_start3A_140 : memref<128xi32, #tpu.memory_space<vmem>>) semaphore(%arg10 : memref<!tpu.dma_semaphore, #tpu.memory_space<semaphore_mem>>)
      %add3A_144 = arith.addi %mul3A_80, %add3A_127 : i32
      %mul3A_145 = arith.constant 128 : i32
      %mul3A_146 = arith.muli %add3A_144, %mul3A_145 : i32
      %multiple_of3A_147 = tpu.assume_multiple %mul3A_146, 128 : i32
      "tpu.region"() ({
        %run_scoped3A = tpu.sem_alloc : memref<!tpu.dma_semaphore, #tpu.memory_space<semaphore_mem>>
        %dma_start3A_172 = tpu.memref_slice %arg4[%multiple_of3A_147] : memref<327680xi32, #tpu.memory_space<hbm>> -> memref<128xi32, #tpu.memory_space<hbm>>
        %dma_start3A_173 = tpu.memref_slice %arg4[%multiple_of3A_147] : memref<327680xi32, #tpu.memory_space<hbm>> -> memref<128xi32, #tpu.memory_space<hbm>>
        tpu.enqueue_dma source(%dma_start3A_173 : memref<128xi32, #tpu.memory_space<hbm>>) target(%arg7 : memref<128xi32, #tpu.memory_space<vmem>>) target_semaphore(%run_scoped3A : memref<!tpu.dma_semaphore, #tpu.memory_space<semaphore_mem>>)
        %dma_wait3A_174 = tpu.memref_slice %arg4[%multiple_of3A_147] : memref<327680xi32, #tpu.memory_space<hbm>> -> memref<128xi32, #tpu.memory_space<hbm>>
        %dma_wait3A_175 = tpu.memref_slice %arg4[%multiple_of3A_147] : memref<327680xi32, #tpu.memory_space<hbm>> -> memref<128xi32, #tpu.memory_space<hbm>>
        tpu.wait_dma2 semaphore(%run_scoped3A : memref<!tpu.dma_semaphore, #tpu.memory_space<semaphore_mem>>) src(%dma_wait3A_175 : memref<128xi32, #tpu.memory_space<hbm>>) dst(%arg7 : memref<128xi32, #tpu.memory_space<vmem>>)
        tpu.yield
      }) : () -> ()
      "tpu.region"() ({
        %run_scoped3A = tpu.sem_alloc : memref<!tpu.dma_semaphore, #tpu.memory_space<semaphore_mem>>
        %dma_start3A_172 = arith.constant 0 : i32
        %dma_start3A_173 = arith.constant 0 : i32
        %dma_start3A_174 = tpu.memref_slice %arg11[%dma_start3A_172, %dma_start3A_173] : memref<10240x64xf32, #tpu.memory_space<vmem_shared>> -> memref<10240x64xf32, #tpu.memory_space<vmem_shared>>
        tpu.enqueue_indirect_dma source(%arg8 : memref<128x64xf32, #tpu.memory_space<vmem>>) target(%dma_start3A_174 : memref<10240x64xf32, #tpu.memory_space<vmem_shared>>) offsets(%arg7 : memref<128xi32, #tpu.memory_space<vmem>>) semaphore(%run_scoped3A : memref<!tpu.dma_semaphore, #tpu.memory_space<semaphore_mem>>) {add = true}
        %dma_wait3A_175 = arith.constant 0 : i32
        %dma_wait3A_176 = arith.constant 0 : i32
        %dma_wait3A_177 = tpu.memref_slice %arg11[%dma_wait3A_175, %dma_wait3A_176] : memref<10240x64xf32, #tpu.memory_space<vmem_shared>> -> memref<10240x64xf32, #tpu.memory_space<vmem_shared>>
        tpu.wait_indirect_dma semaphore(%run_scoped3A : memref<!tpu.dma_semaphore, #tpu.memory_space<semaphore_mem>>) src(%arg8 : memref<128x64xf32, #tpu.memory_space<vmem>>) dst(%dma_wait3A_177 : memref<10240x64xf32, #tpu.memory_space<vmem_shared>>)
        tpu.yield
      }) : () -> ()
      %mul3A_148 = arith.constant 2 : i32
      %mul3A_149 = arith.muli %mul3A_148, %scan3A_123 : i32
      %add3A_150 = arith.constant 1 : i32
      %add3A_151 = arith.addi %mul3A_149, %add3A_150 : i32
      %mul3A_152 = arith.constant 128 : i32
      %mul3A_153 = arith.muli %add3A_151, %mul3A_152 : i32
      %multiple_of3A_154 = tpu.assume_multiple %mul3A_153, 128 : i32
      %dma_wait3A_155 = tpu.memref_slice %arg6[%multiple_of3A_154] : memref<20480xi32, #tpu.memory_space<vmem>> -> memref<128xi32, #tpu.memory_space<vmem>>
      %dma_wait3A_156 = arith.constant 0 : i32
      %dma_wait3A_157 = arith.constant 0 : i32
      %dma_wait3A_158 = tpu.memref_slice %arg12[%dma_wait3A_156, %dma_wait3A_157] : memref<10240x64xf32, #tpu.memory_space<vmem_shared>> -> memref<10240x64xf32, #tpu.memory_space<vmem_shared>>
      tpu.wait_indirect_dma semaphore(%arg10 : memref<!tpu.dma_semaphore, #tpu.memory_space<semaphore_mem>>) src(%dma_wait3A_158 : memref<10240x64xf32, #tpu.memory_space<vmem_shared>>) dst(%arg9 : memref<128x64xf32, #tpu.memory_space<vmem>>)
      %add3A_159 = arith.constant 1 : i32
      %add3A_160 = arith.addi %add3A_151, %add3A_159 : i32
      %mul3A_161 = arith.constant 128 : i32
      %mul3A_162 = arith.muli %add3A_160, %mul3A_161 : i32
      %multiple_of3A_163 = tpu.assume_multiple %mul3A_162, 128 : i32
      %dma_start3A_164 = tpu.memref_slice %arg6[%multiple_of3A_163] : memref<20480xi32, #tpu.memory_space<vmem>> -> memref<128xi32, #tpu.memory_space<vmem>>
      %dma_start3A_165 = arith.constant 0 : i32
      %dma_start3A_166 = arith.constant 0 : i32
      %dma_start3A_167 = tpu.memref_slice %arg12[%dma_start3A_165, %dma_start3A_166] : memref<10240x64xf32, #tpu.memory_space<vmem_shared>> -> memref<10240x64xf32, #tpu.memory_space<vmem_shared>>
      tpu.enqueue_indirect_dma source(%dma_start3A_167 : memref<10240x64xf32, #tpu.memory_space<vmem_shared>>) target(%arg8 : memref<128x64xf32, #tpu.memory_space<vmem>>) offsets(%dma_start3A_164 : memref<128xi32, #tpu.memory_space<vmem>>) semaphore(%arg10 : memref<!tpu.dma_semaphore, #tpu.memory_space<semaphore_mem>>)
      %add3A_168 = arith.addi %mul3A_80, %add3A_151 : i32
      %mul3A_169 = arith.constant 128 : i32
      %mul3A_170 = arith.muli %add3A_168, %mul3A_169 : i32
      %multiple_of3A_171 = tpu.assume_multiple %mul3A_170, 128 : i32
      "tpu.region"() ({
        %run_scoped3A = tpu.sem_alloc : memref<!tpu.dma_semaphore, #tpu.memory_space<semaphore_mem>>
        %dma_start3A_172 = tpu.memref_slice %arg4[%multiple_of3A_171] : memref<327680xi32, #tpu.memory_space<hbm>> -> memref<128xi32, #tpu.memory_space<hbm>>
        %dma_start3A_173 = tpu.memref_slice %arg4[%multiple_of3A_171] : memref<327680xi32, #tpu.memory_space<hbm>> -> memref<128xi32, #tpu.memory_space<hbm>>
        tpu.enqueue_dma source(%dma_start3A_173 : memref<128xi32, #tpu.memory_space<hbm>>) target(%arg7 : memref<128xi32, #tpu.memory_space<vmem>>) target_semaphore(%run_scoped3A : memref<!tpu.dma_semaphore, #tpu.memory_space<semaphore_mem>>)
        %dma_wait3A_174 = tpu.memref_slice %arg4[%multiple_of3A_171] : memref<327680xi32, #tpu.memory_space<hbm>> -> memref<128xi32, #tpu.memory_space<hbm>>
        %dma_wait3A_175 = tpu.memref_slice %arg4[%multiple_of3A_171] : memref<327680xi32, #tpu.memory_space<hbm>> -> memref<128xi32, #tpu.memory_space<hbm>>
        tpu.wait_dma2 semaphore(%run_scoped3A : memref<!tpu.dma_semaphore, #tpu.memory_space<semaphore_mem>>) src(%dma_wait3A_175 : memref<128xi32, #tpu.memory_space<hbm>>) dst(%arg7 : memref<128xi32, #tpu.memory_space<vmem>>)
        tpu.yield
      }) : () -> ()
      "tpu.region"() ({
        %run_scoped3A = tpu.sem_alloc : memref<!tpu.dma_semaphore, #tpu.memory_space<semaphore_mem>>
        %dma_start3A_172 = arith.constant 0 : i32
        %dma_start3A_173 = arith.constant 0 : i32
        %dma_start3A_174 = tpu.memref_slice %arg11[%dma_start3A_172, %dma_start3A_173] : memref<10240x64xf32, #tpu.memory_space<vmem_shared>> -> memref<10240x64xf32, #tpu.memory_space<vmem_shared>>
        tpu.enqueue_indirect_dma source(%arg9 : memref<128x64xf32, #tpu.memory_space<vmem>>) target(%dma_start3A_174 : memref<10240x64xf32, #tpu.memory_space<vmem_shared>>) offsets(%arg7 : memref<128xi32, #tpu.memory_space<vmem>>) semaphore(%run_scoped3A : memref<!tpu.dma_semaphore, #tpu.memory_space<semaphore_mem>>) {add = true}
        %dma_wait3A_175 = arith.constant 0 : i32
        %dma_wait3A_176 = arith.constant 0 : i32
        %dma_wait3A_177 = tpu.memref_slice %arg11[%dma_wait3A_175, %dma_wait3A_176] : memref<10240x64xf32, #tpu.memory_space<vmem_shared>> -> memref<10240x64xf32, #tpu.memory_space<vmem_shared>>
        tpu.wait_indirect_dma semaphore(%run_scoped3A : memref<!tpu.dma_semaphore, #tpu.memory_space<semaphore_mem>>) src(%arg9 : memref<128x64xf32, #tpu.memory_space<vmem>>) dst(%dma_wait3A_177 : memref<10240x64xf32, #tpu.memory_space<vmem_shared>>)
        tpu.yield
      }) : () -> ()
    }
    %scan3A_93 = arith.constant 79 : i32
    %multiple_of3A_94 = arith.constant 20224 : i32
    %multiple_of3A_95 = tpu.assume_multiple %multiple_of3A_94, 128 : i32
    %dma_wait3A_96 = tpu.memref_slice %arg6[%multiple_of3A_95] : memref<20480xi32, #tpu.memory_space<vmem>> -> memref<128xi32, #tpu.memory_space<vmem>>
    %dma_wait3A_97 = arith.constant 0 : i32
    %dma_wait3A_98 = arith.constant 0 : i32
    %dma_wait3A_99 = tpu.memref_slice %arg12[%dma_wait3A_97, %dma_wait3A_98] : memref<10240x64xf32, #tpu.memory_space<vmem_shared>> -> memref<10240x64xf32, #tpu.memory_space<vmem_shared>>
    tpu.wait_indirect_dma semaphore(%arg10 : memref<!tpu.dma_semaphore, #tpu.memory_space<semaphore_mem>>) src(%dma_wait3A_99 : memref<10240x64xf32, #tpu.memory_space<vmem_shared>>) dst(%arg8 : memref<128x64xf32, #tpu.memory_space<vmem>>)
    %multiple_of3A_100 = arith.constant 20352 : i32
    %multiple_of3A_101 = tpu.assume_multiple %multiple_of3A_100, 128 : i32
    %dma_start3A_102 = tpu.memref_slice %arg6[%multiple_of3A_101] : memref<20480xi32, #tpu.memory_space<vmem>> -> memref<128xi32, #tpu.memory_space<vmem>>
    %dma_start3A_103 = arith.constant 0 : i32
    %dma_start3A_104 = arith.constant 0 : i32
    %dma_start3A_105 = tpu.memref_slice %arg12[%dma_start3A_103, %dma_start3A_104] : memref<10240x64xf32, #tpu.memory_space<vmem_shared>> -> memref<10240x64xf32, #tpu.memory_space<vmem_shared>>
    tpu.enqueue_indirect_dma source(%dma_start3A_105 : memref<10240x64xf32, #tpu.memory_space<vmem_shared>>) target(%arg9 : memref<128x64xf32, #tpu.memory_space<vmem>>) offsets(%dma_start3A_102 : memref<128xi32, #tpu.memory_space<vmem>>) semaphore(%arg10 : memref<!tpu.dma_semaphore, #tpu.memory_space<semaphore_mem>>)
    %add3A_106 = arith.constant 158 : i32
    %add3A_107 = arith.addi %mul3A_80, %add3A_106 : i32
    %mul3A_108 = arith.constant 128 : i32
    %mul3A_109 = arith.muli %add3A_107, %mul3A_108 : i32
    %multiple_of3A_110 = tpu.assume_multiple %mul3A_109, 128 : i32
    "tpu.region"() ({
      %run_scoped3A = tpu.sem_alloc : memref<!tpu.dma_semaphore, #tpu.memory_space<semaphore_mem>>
      %dma_start3A_123 = tpu.memref_slice %arg4[%multiple_of3A_110] : memref<327680xi32, #tpu.memory_space<hbm>> -> memref<128xi32, #tpu.memory_space<hbm>>
      %dma_start3A_124 = tpu.memref_slice %arg4[%multiple_of3A_110] : memref<327680xi32, #tpu.memory_space<hbm>> -> memref<128xi32, #tpu.memory_space<hbm>>
      tpu.enqueue_dma source(%dma_start3A_124 : memref<128xi32, #tpu.memory_space<hbm>>) target(%arg7 : memref<128xi32, #tpu.memory_space<vmem>>) target_semaphore(%run_scoped3A : memref<!tpu.dma_semaphore, #tpu.memory_space<semaphore_mem>>)
      %dma_wait3A_125 = tpu.memref_slice %arg4[%multiple_of3A_110] : memref<327680xi32, #tpu.memory_space<hbm>> -> memref<128xi32, #tpu.memory_space<hbm>>
      %dma_wait3A_126 = tpu.memref_slice %arg4[%multiple_of3A_110] : memref<327680xi32, #tpu.memory_space<hbm>> -> memref<128xi32, #tpu.memory_space<hbm>>
      tpu.wait_dma2 semaphore(%run_scoped3A : memref<!tpu.dma_semaphore, #tpu.memory_space<semaphore_mem>>) src(%dma_wait3A_126 : memref<128xi32, #tpu.memory_space<hbm>>) dst(%arg7 : memref<128xi32, #tpu.memory_space<vmem>>)
      tpu.yield
    }) : () -> ()
    "tpu.region"() ({
      %run_scoped3A = tpu.sem_alloc : memref<!tpu.dma_semaphore, #tpu.memory_space<semaphore_mem>>
      %dma_start3A_123 = arith.constant 0 : i32
      %dma_start3A_124 = arith.constant 0 : i32
      %dma_start3A_125 = tpu.memref_slice %arg11[%dma_start3A_123, %dma_start3A_124] : memref<10240x64xf32, #tpu.memory_space<vmem_shared>> -> memref<10240x64xf32, #tpu.memory_space<vmem_shared>>
      tpu.enqueue_indirect_dma source(%arg8 : memref<128x64xf32, #tpu.memory_space<vmem>>) target(%dma_start3A_125 : memref<10240x64xf32, #tpu.memory_space<vmem_shared>>) offsets(%arg7 : memref<128xi32, #tpu.memory_space<vmem>>) semaphore(%run_scoped3A : memref<!tpu.dma_semaphore, #tpu.memory_space<semaphore_mem>>) {add = true}
      %dma_wait3A_126 = arith.constant 0 : i32
      %dma_wait3A_127 = arith.constant 0 : i32
      %dma_wait3A_128 = tpu.memref_slice %arg11[%dma_wait3A_126, %dma_wait3A_127] : memref<10240x64xf32, #tpu.memory_space<vmem_shared>> -> memref<10240x64xf32, #tpu.memory_space<vmem_shared>>
      tpu.wait_indirect_dma semaphore(%run_scoped3A : memref<!tpu.dma_semaphore, #tpu.memory_space<semaphore_mem>>) src(%arg8 : memref<128x64xf32, #tpu.memory_space<vmem>>) dst(%dma_wait3A_128 : memref<10240x64xf32, #tpu.memory_space<vmem_shared>>)
      tpu.yield
    }) : () -> ()
    %multiple_of3A_111 = arith.constant 20352 : i32
    %multiple_of3A_112 = tpu.assume_multiple %multiple_of3A_111, 128 : i32
    %dma_wait3A_113 = tpu.memref_slice %arg6[%multiple_of3A_112] : memref<20480xi32, #tpu.memory_space<vmem>> -> memref<128xi32, #tpu.memory_space<vmem>>
    %dma_wait3A_114 = arith.constant 0 : i32
    %dma_wait3A_115 = arith.constant 0 : i32
    %dma_wait3A_116 = tpu.memref_slice %arg12[%dma_wait3A_114, %dma_wait3A_115] : memref<10240x64xf32, #tpu.memory_space<vmem_shared>> -> memref<10240x64xf32, #tpu.memory_space<vmem_shared>>
    tpu.wait_indirect_dma semaphore(%arg10 : memref<!tpu.dma_semaphore, #tpu.memory_space<semaphore_mem>>) src(%dma_wait3A_116 : memref<10240x64xf32, #tpu.memory_space<vmem_shared>>) dst(%arg9 : memref<128x64xf32, #tpu.memory_space<vmem>>)
    %add3A_117 = arith.constant 159 : i32
    %add3A_118 = arith.addi %mul3A_80, %add3A_117 : i32
    %mul3A_119 = arith.constant 128 : i32
    %mul3A_120 = arith.muli %add3A_118, %mul3A_119 : i32
    %multiple_of3A_121 = tpu.assume_multiple %mul3A_120, 128 : i32
    "tpu.region"() ({
      %run_scoped3A = tpu.sem_alloc : memref<!tpu.dma_semaphore, #tpu.memory_space<semaphore_mem>>
      %dma_start3A_123 = tpu.memref_slice %arg4[%multiple_of3A_121] : memref<327680xi32, #tpu.memory_space<hbm>> -> memref<128xi32, #tpu.memory_space<hbm>>
      %dma_start3A_124 = tpu.memref_slice %arg4[%multiple_of3A_121] : memref<327680xi32, #tpu.memory_space<hbm>> -> memref<128xi32, #tpu.memory_space<hbm>>
      tpu.enqueue_dma source(%dma_start3A_124 : memref<128xi32, #tpu.memory_space<hbm>>) target(%arg7 : memref<128xi32, #tpu.memory_space<vmem>>) target_semaphore(%run_scoped3A : memref<!tpu.dma_semaphore, #tpu.memory_space<semaphore_mem>>)
      %dma_wait3A_125 = tpu.memref_slice %arg4[%multiple_of3A_121] : memref<327680xi32, #tpu.memory_space<hbm>> -> memref<128xi32, #tpu.memory_space<hbm>>
      %dma_wait3A_126 = tpu.memref_slice %arg4[%multiple_of3A_121] : memref<327680xi32, #tpu.memory_space<hbm>> -> memref<128xi32, #tpu.memory_space<hbm>>
      tpu.wait_dma2 semaphore(%run_scoped3A : memref<!tpu.dma_semaphore, #tpu.memory_space<semaphore_mem>>) src(%dma_wait3A_126 : memref<128xi32, #tpu.memory_space<hbm>>) dst(%arg7 : memref<128xi32, #tpu.memory_space<vmem>>)
      tpu.yield
    }) : () -> ()
    "tpu.region"() ({
      %run_scoped3A = tpu.sem_alloc : memref<!tpu.dma_semaphore, #tpu.memory_space<semaphore_mem>>
      %dma_start3A_123 = arith.constant 0 : i32
      %dma_start3A_124 = arith.constant 0 : i32
      %dma_start3A_125 = tpu.memref_slice %arg11[%dma_start3A_123, %dma_start3A_124] : memref<10240x64xf32, #tpu.memory_space<vmem_shared>> -> memref<10240x64xf32, #tpu.memory_space<vmem_shared>>
      tpu.enqueue_indirect_dma source(%arg9 : memref<128x64xf32, #tpu.memory_space<vmem>>) target(%dma_start3A_125 : memref<10240x64xf32, #tpu.memory_space<vmem_shared>>) offsets(%arg7 : memref<128xi32, #tpu.memory_space<vmem>>) semaphore(%run_scoped3A : memref<!tpu.dma_semaphore, #tpu.memory_space<semaphore_mem>>) {add = true}
      %dma_wait3A_126 = arith.constant 0 : i32
      %dma_wait3A_127 = arith.constant 0 : i32
      %dma_wait3A_128 = tpu.memref_slice %arg11[%dma_wait3A_126, %dma_wait3A_127] : memref<10240x64xf32, #tpu.memory_space<vmem_shared>> -> memref<10240x64xf32, #tpu.memory_space<vmem_shared>>
      tpu.wait_indirect_dma semaphore(%run_scoped3A : memref<!tpu.dma_semaphore, #tpu.memory_space<semaphore_mem>>) src(%arg9 : memref<128x64xf32, #tpu.memory_space<vmem>>) dst(%dma_wait3A_128 : memref<10240x64xf32, #tpu.memory_space<vmem_shared>>)
      tpu.yield
    }) : () -> ()
    %barrier3A_122 = arith.constant 0 : index
    tpu.barrier barrier_id(%barrier3A_122)
    "tpu.region"() ({
      %run_scoped3A = tpu.sem_alloc : memref<!tpu.dma_semaphore, #tpu.memory_space<semaphore_mem>>
      %dma_start3A_123 = arith.constant 0 : i32
      %dma_start3A_124 = tpu.memref_slice %arg5[%arg0, %mul3A_0, %dma_start3A_123] : memref<2x10240x64xf32, #tpu.memory_space<hbm>> -> memref<1x640x64xf32, #tpu.memory_space<hbm>>
      %dma_start3A_125 = tpu.memref_squeeze %dma_start3A_124 : memref<1x640x64xf32, #tpu.memory_space<hbm>> -> memref<640x64xf32, #tpu.memory_space<hbm>>
      %dma_start3A_126 = arith.constant 0 : i32
      %dma_start3A_127 = tpu.memref_slice %arg11[%mul3A_0, %dma_start3A_126] : memref<10240x64xf32, #tpu.memory_space<vmem_shared>> -> memref<640x64xf32, #tpu.memory_space<vmem_shared>>
      tpu.enqueue_dma source(%dma_start3A_127 : memref<640x64xf32, #tpu.memory_space<vmem_shared>>) target(%dma_start3A_125 : memref<640x64xf32, #tpu.memory_space<hbm>>) target_semaphore(%run_scoped3A : memref<!tpu.dma_semaphore, #tpu.memory_space<semaphore_mem>>)
      %dma_wait3A_128 = arith.constant 0 : i32
      %dma_wait3A_129 = tpu.memref_slice %arg5[%arg0, %mul3A_0, %dma_wait3A_128] : memref<2x10240x64xf32, #tpu.memory_space<hbm>> -> memref<1x640x64xf32, #tpu.memory_space<hbm>>
      %dma_wait3A_130 = tpu.memref_squeeze %dma_wait3A_129 : memref<1x640x64xf32, #tpu.memory_space<hbm>> -> memref<640x64xf32, #tpu.memory_space<hbm>>
      %dma_wait3A_131 = arith.constant 0 : i32
      %dma_wait3A_132 = tpu.memref_slice %arg11[%mul3A_0, %dma_wait3A_131] : memref<10240x64xf32, #tpu.memory_space<vmem_shared>> -> memref<640x64xf32, #tpu.memory_space<vmem_shared>>
      tpu.wait_dma2 semaphore(%run_scoped3A : memref<!tpu.dma_semaphore, #tpu.memory_space<semaphore_mem>>) src(%dma_wait3A_132 : memref<640x64xf32, #tpu.memory_space<vmem_shared>>) dst(%dma_wait3A_130 : memref<640x64xf32, #tpu.memory_space<hbm>>)
      tpu.yield
    }) : () -> ()
    return
  }
}

#map = affine_map<(d0, d1) -> (0, 0)>
module attributes {stable_mosaic.version = 14 : i64} {
  func.func @_deg_call(%arg0: i32, %arg1: i32, %arg2: memref<2560x128xi32, #tpu.memory_space<hbm>>, %arg3: memref<2x10240xf32, #tpu.memory_space<hbm>>, %arg4: memref<80x128xi32, #tpu.memory_space<vmem>>, %arg5: memref<128xf32, #tpu.memory_space<vmem>>, %arg6: memref<640xf32, #tpu.memory_space<vmem>>, %arg7: memref<10240xf32, #tpu.memory_space<vmem_shared>>) attributes {dimension_semantics = [#tpu.dimension_semantics<core_parallel>, #tpu.dimension_semantics<subcore_parallel>], iteration_bounds = array<i64: 2, 16>, scalar_prefetch = 0 : i64, scratch_operands = 4 : i64, tpu.core_type = #tpu.core_type<sc_vector_subcore>, window_params = [{transform_indices = #map}, {transform_indices = #map}]} {
    %mul3A = arith.constant 2 : i32
    %mul3A_0 = arith.muli %arg1, %mul3A : i32
    %add3A = arith.addi %mul3A_0, %arg0 : i32
    %scan3A = arith.constant 0 : i32
    %scan3A_1 = arith.constant 0 : i32
    %scan3A_2 = arith.constant 8 : i32
    %scan3A_3 = arith.addi %scan3A_1, %scan3A_2 : i32
    %scan3A_4 = arith.constant 1 : i32
    scf.for %scan3A_27 = %scan3A_1 to %scan3A_3 step %scan3A_4  : i32 {
      %broadcast_in_dim3A = arith.constant 1.000000e+00 : f32
      %broadcast_in_dim3A_28 = vector.broadcast %broadcast_in_dim3A : f32 to vector<16xf32>
      %mul3A_29 = arith.constant 16 : i32
      %mul3A_30 = arith.muli %scan3A_27, %mul3A_29 : i32
      %swap3A = arith.index_cast %mul3A_30 : i32 to index
      %swap3A_31 = tpu.vector_load %arg5[%swap3A] {strides = array<i32>} : memref<128xf32, #tpu.memory_space<vmem>>, vector<16xf32>,
      %swap3A_32 = vector.shape_cast %swap3A_31 : vector<16xf32> to vector<16xf32>
      %swap3A_33 = vector.shape_cast %broadcast_in_dim3A_28 : vector<16xf32> to vector<16xf32>
      tpu.vector_store %arg5[%swap3A], %swap3A_33 {strides = array<i32>} : memref<128xf32, #tpu.memory_space<vmem>>, vector<16xf32>,
    }
    %scan3A_5 = arith.constant 8 : i32
    %scan3A_6 = arith.constant 0 : i32
    %scan3A_7 = arith.constant 0 : i32
    %scan3A_8 = arith.constant 40 : i32
    %scan3A_9 = arith.addi %scan3A_7, %scan3A_8 : i32
    %scan3A_10 = arith.constant 1 : i32
    scf.for %scan3A_27 = %scan3A_7 to %scan3A_9 step %scan3A_10  : i32 {
      %broadcast_in_dim3A = arith.constant 0.000000e+00 : f32
      %broadcast_in_dim3A_28 = vector.broadcast %broadcast_in_dim3A : f32 to vector<16xf32>
      %mul3A_29 = arith.constant 16 : i32
      %mul3A_30 = arith.muli %scan3A_27, %mul3A_29 : i32
      %swap3A = arith.index_cast %mul3A_30 : i32 to index
      %swap3A_31 = tpu.vector_load %arg6[%swap3A] {strides = array<i32>} : memref<640xf32, #tpu.memory_space<vmem>>, vector<16xf32>,
      %swap3A_32 = vector.shape_cast %swap3A_31 : vector<16xf32> to vector<16xf32>
      %swap3A_33 = vector.shape_cast %broadcast_in_dim3A_28 : vector<16xf32> to vector<16xf32>
      tpu.vector_store %arg6[%swap3A], %swap3A_33 {strides = array<i32>} : memref<640xf32, #tpu.memory_space<vmem>>, vector<16xf32>,
    }
    %scan3A_11 = arith.constant 40 : i32
    %mul3A_12 = arith.constant 640 : i32
    %mul3A_13 = arith.muli %arg1, %mul3A_12 : i32
    "tpu.region"() ({
      %run_scoped3A = tpu.sem_alloc : memref<!tpu.dma_semaphore, #tpu.memory_space<semaphore_mem>>
      %dma_start3A = tpu.memref_slice %arg7[%mul3A_13] : memref<10240xf32, #tpu.memory_space<vmem_shared>> -> memref<640xf32, #tpu.memory_space<vmem_shared>>
      %dma_start3A_27 = tpu.memref_slice %arg7[%mul3A_13] : memref<10240xf32, #tpu.memory_space<vmem_shared>> -> memref<640xf32, #tpu.memory_space<vmem_shared>>
      tpu.enqueue_dma source(%arg6 : memref<640xf32, #tpu.memory_space<vmem>>) target(%dma_start3A_27 : memref<640xf32, #tpu.memory_space<vmem_shared>>) target_semaphore(%run_scoped3A : memref<!tpu.dma_semaphore, #tpu.memory_space<semaphore_mem>>)
      %dma_wait3A = tpu.memref_slice %arg7[%mul3A_13] : memref<10240xf32, #tpu.memory_space<vmem_shared>> -> memref<640xf32, #tpu.memory_space<vmem_shared>>
      %dma_wait3A_28 = tpu.memref_slice %arg7[%mul3A_13] : memref<10240xf32, #tpu.memory_space<vmem_shared>> -> memref<640xf32, #tpu.memory_space<vmem_shared>>
      tpu.wait_dma2 semaphore(%run_scoped3A : memref<!tpu.dma_semaphore, #tpu.memory_space<semaphore_mem>>) src(%arg6 : memref<640xf32, #tpu.memory_space<vmem>>) dst(%dma_wait3A_28 : memref<640xf32, #tpu.memory_space<vmem_shared>>)
      tpu.yield
    }) : () -> ()
    %mul3A_14 = arith.constant 80 : i32
    %mul3A_15 = arith.muli %add3A, %mul3A_14 : i32
    "tpu.region"() ({
      %run_scoped3A = tpu.sem_alloc : memref<!tpu.dma_semaphore, #tpu.memory_space<semaphore_mem>>
      %dma_start3A = arith.constant 0 : i32
      %dma_start3A_27 = tpu.memref_slice %arg2[%mul3A_15, %dma_start3A] : memref<2560x128xi32, #tpu.memory_space<hbm>> -> memref<80x128xi32, #tpu.memory_space<hbm>>
      %dma_start3A_28 = arith.constant 0 : i32
      %dma_start3A_29 = tpu.memref_slice %arg2[%mul3A_15, %dma_start3A_28] : memref<2560x128xi32, #tpu.memory_space<hbm>> -> memref<80x128xi32, #tpu.memory_space<hbm>>
      tpu.enqueue_dma source(%dma_start3A_29 : memref<80x128xi32, #tpu.memory_space<hbm>>) target(%arg4 : memref<80x128xi32, #tpu.memory_space<vmem>>) target_semaphore(%run_scoped3A : memref<!tpu.dma_semaphore, #tpu.memory_space<semaphore_mem>>)
      %dma_wait3A = arith.constant 0 : i32
      %dma_wait3A_30 = tpu.memref_slice %arg2[%mul3A_15, %dma_wait3A] : memref<2560x128xi32, #tpu.memory_space<hbm>> -> memref<80x128xi32, #tpu.memory_space<hbm>>
      %dma_wait3A_31 = arith.constant 0 : i32
      %dma_wait3A_32 = tpu.memref_slice %arg2[%mul3A_15, %dma_wait3A_31] : memref<2560x128xi32, #tpu.memory_space<hbm>> -> memref<80x128xi32, #tpu.memory_space<hbm>>
      tpu.wait_dma2 semaphore(%run_scoped3A : memref<!tpu.dma_semaphore, #tpu.memory_space<semaphore_mem>>) src(%dma_wait3A_32 : memref<80x128xi32, #tpu.memory_space<hbm>>) dst(%arg4 : memref<80x128xi32, #tpu.memory_space<vmem>>)
      tpu.yield
    }) : () -> ()
    %barrier3A = arith.constant 0 : index
    tpu.barrier barrier_id(%barrier3A)
    %scan3A_16 = arith.constant 0 : i32
    %scan3A_17 = arith.constant 0 : i32
    %scan3A_18 = arith.constant 80 : i32
    %scan3A_19 = arith.addi %scan3A_17, %scan3A_18 : i32
    %scan3A_20 = arith.constant 1 : i32
    scf.for %scan3A_27 = %scan3A_17 to %scan3A_19 step %scan3A_20  : i32 {
      "tpu.region"() ({
        %run_scoped3A = tpu.sem_alloc : memref<!tpu.dma_semaphore, #tpu.memory_space<semaphore_mem>>
        %dma_start3A = arith.constant 0 : i32
        %dma_start3A_28 = tpu.memref_slice %arg4[%scan3A_27, %dma_start3A] : memref<80x128xi32, #tpu.memory_space<vmem>> -> memref<1x128xi32, #tpu.memory_space<vmem>>
        %dma_start3A_29 = tpu.memref_squeeze %dma_start3A_28 : memref<1x128xi32, #tpu.memory_space<vmem>> -> memref<128xi32, #tpu.memory_space<vmem>>
        %dma_start3A_30 = arith.constant 0 : i32
        %dma_start3A_31 = tpu.memref_slice %arg7[%dma_start3A_30] : memref<10240xf32, #tpu.memory_space<vmem_shared>> -> memref<10240xf32, #tpu.memory_space<vmem_shared>>
        tpu.enqueue_indirect_dma source(%arg5 : memref<128xf32, #tpu.memory_space<vmem>>) target(%dma_start3A_31 : memref<10240xf32, #tpu.memory_space<vmem_shared>>) offsets(%dma_start3A_29 : memref<128xi32, #tpu.memory_space<vmem>>) semaphore(%run_scoped3A : memref<!tpu.dma_semaphore, #tpu.memory_space<semaphore_mem>>) {add = true}
        %dma_wait3A = arith.constant 0 : i32
        %dma_wait3A_32 = tpu.memref_slice %arg4[%scan3A_27, %dma_wait3A] : memref<80x128xi32, #tpu.memory_space<vmem>> -> memref<1x128xi32, #tpu.memory_space<vmem>>
        %dma_wait3A_33 = tpu.memref_squeeze %dma_wait3A_32 : memref<1x128xi32, #tpu.memory_space<vmem>> -> memref<128xi32, #tpu.memory_space<vmem>>
        %dma_wait3A_34 = arith.constant 0 : i32
        %dma_wait3A_35 = tpu.memref_slice %arg7[%dma_wait3A_34] : memref<10240xf32, #tpu.memory_space<vmem_shared>> -> memref<10240xf32, #tpu.memory_space<vmem_shared>>
        tpu.wait_indirect_dma semaphore(%run_scoped3A : memref<!tpu.dma_semaphore, #tpu.memory_space<semaphore_mem>>) src(%arg5 : memref<128xf32, #tpu.memory_space<vmem>>) dst(%dma_wait3A_35 : memref<10240xf32, #tpu.memory_space<vmem_shared>>)
        tpu.yield
      }) : () -> ()
    }
    %scan3A_21 = arith.constant 80 : i32
    %barrier3A_22 = arith.constant 0 : index
    tpu.barrier barrier_id(%barrier3A_22)
    %mul3A_23 = arith.constant 640 : i32
    %mul3A_24 = arith.muli %arg1, %mul3A_23 : i32
    %mul3A_25 = arith.constant 640 : i32
    %mul3A_26 = arith.muli %arg1, %mul3A_25 : i32
    "tpu.region"() ({
      %run_scoped3A = tpu.sem_alloc : memref<!tpu.dma_semaphore, #tpu.memory_space<semaphore_mem>>
      %dma_start3A = tpu.memref_slice %arg3[%arg0, %mul3A_26] : memref<2x10240xf32, #tpu.memory_space<hbm>> -> memref<1x640xf32, #tpu.memory_space<hbm>>
      %dma_start3A_27 = tpu.memref_squeeze %dma_start3A : memref<1x640xf32, #tpu.memory_space<hbm>> -> memref<640xf32, #tpu.memory_space<hbm>>
      %dma_start3A_28 = tpu.memref_slice %arg7[%mul3A_24] : memref<10240xf32, #tpu.memory_space<vmem_shared>> -> memref<640xf32, #tpu.memory_space<vmem_shared>>
      tpu.enqueue_dma source(%dma_start3A_28 : memref<640xf32, #tpu.memory_space<vmem_shared>>) target(%dma_start3A_27 : memref<640xf32, #tpu.memory_space<hbm>>) target_semaphore(%run_scoped3A : memref<!tpu.dma_semaphore, #tpu.memory_space<semaphore_mem>>)
      %dma_wait3A = tpu.memref_slice %arg3[%arg0, %mul3A_26] : memref<2x10240xf32, #tpu.memory_space<hbm>> -> memref<1x640xf32, #tpu.memory_space<hbm>>
      %dma_wait3A_29 = tpu.memref_squeeze %dma_wait3A : memref<1x640xf32, #tpu.memory_space<hbm>> -> memref<640xf32, #tpu.memory_space<hbm>>
      %dma_wait3A_30 = tpu.memref_slice %arg7[%mul3A_24] : memref<10240xf32, #tpu.memory_space<vmem_shared>> -> memref<640xf32, #tpu.memory_space<vmem_shared>>
      tpu.wait_dma2 semaphore(%run_scoped3A : memref<!tpu.dma_semaphore, #tpu.memory_space<semaphore_mem>>) src(%dma_wait3A_30 : memref<640xf32, #tpu.memory_space<vmem_shared>>) dst(%dma_wait3A_29 : memref<640xf32, #tpu.memory_space<hbm>>)
      tpu.yield
    }) : () -> ()
    return
  }
}

module attributes {stable_mosaic.version = 14 : i64} {
  func.func @_prep_body(%arg0: i32, %arg1: memref<1024x128xf32, #tpu.memory_space<vmem>>, %arg2: memref<1024x128xf32, #tpu.memory_space<vmem>>, %arg3: memref<128x128xf32, #tpu.memory_space<vmem>>, %arg4: memref<1024x128xf32, #tpu.memory_space<vmem>>) attributes {dimension_semantics = [#tpu.dimension_semantics<arbitrary>], iteration_bounds = array<i64: 10>, scalar_prefetch = 0 : i64, scratch_operands = 0 : i64, tpu.core_type = #tpu.core_type<tc>, window_params = [{transform_indices = @transform_0, window_bounds = array<i64: 1024, 128>}, {transform_indices = @transform_1, window_bounds = array<i64: 1024, 128>}, {pipeline_mode = #tpu.pipeline_mode<synchronous>, transform_indices = @transform_2, window_bounds = array<i64: 128, 128>}, {transform_indices = @transform_3, window_bounds = array<i64: 1024, 128>}]} {
    %get3A = arith.constant 0 : index
    %get3A_0 = arith.constant 0 : index
    %get3A_1 = vector.load %arg1[%get3A, %get3A_0] : memref<1024x128xf32, #tpu.memory_space<vmem>>, vector<1024x128xf32>
    %get3A_2 = arith.constant 0 : index
    %get3A_3 = arith.constant 0 : index
    %get3A_4 = vector.load %arg2[%get3A_2, %get3A_3] : memref<1024x128xf32, #tpu.memory_space<vmem>>, vector<1024x128xf32>
    %mul3A = arith.mulf %get3A_1, %get3A_4 : vector<1024x128xf32>
    %get3A_5 = arith.constant 0 : index
    %get3A_6 = arith.constant 0 : index
    %get3A_7 = vector.load %arg3[%get3A_5, %get3A_6] : memref<128x128xf32, #tpu.memory_space<vmem>>, vector<128x128xf32>
    %dot_general3A = arith.constant dense<0.000000e+00> : vector<1024x128xf32>
    %dot_general3A_8 = tpu.matmul %mul3A, %get3A_7, %dot_general3A {dimension_numbers = #tpu.dot_dimension_numbers<[1], [0], [0], [1], [0, 0, 1, 1], [], []>, precision = #tpu.contract_precision<fp32>, transpose_lhs_hint = false} : vector<1024x128xf32>, vector<128x128xf32>, vector<1024x128xf32> -> vector<1024x128xf32>
    %swap3A = arith.constant 0 : index
    %swap3A_9 = arith.constant 0 : index
    %swap3A_10 = vector.load %arg4[%swap3A, %swap3A_9] : memref<1024x128xf32, #tpu.memory_space<vmem>>, vector<1024x128xf32>
    tpu.vector_store %arg4[%swap3A, %swap3A_9], %dot_general3A_8 {strides = array<i32>} : memref<1024x128xf32, #tpu.memory_space<vmem>>, vector<1024x128xf32>,
    return
  }
  func.func @transform_0(%arg0: i32) -> (i32, i32) {
    %c0_i32 = arith.constant 0 : i32
    %c0_i32_0 = arith.constant 0 : i32
    return %arg0, %c0_i32 : i32, i32
  }
  func.func @transform_1(%arg0: i32) -> (i32, i32) {
    %c0_i32 = arith.constant 0 : i32
    %c0_i32_0 = arith.constant 0 : i32
    return %arg0, %c0_i32 : i32, i32
  }
  func.func @transform_2(%arg0: i32) -> (i32, i32) {
    %c0_i32 = arith.constant 0 : i32
    %c0_i32_0 = arith.constant 0 : i32
    %c0_i32_1 = arith.constant 0 : i32
    return %c0_i32, %c0_i32_0 : i32, i32
  }
  func.func @transform_3(%arg0: i32) -> (i32, i32) {
    %c0_i32 = arith.constant 0 : i32
    %c0_i32_0 = arith.constant 0 : i32
    return %arg0, %c0_i32 : i32, i32
  }
}

module attributes {stable_mosaic.version = 14 : i64} {
  func.func @_post1_body(%arg0: i32, %arg1: memref<1024x128xf32, #tpu.memory_space<vmem>>, %arg2: memref<1024x128xf32, #tpu.memory_space<vmem>>, %arg3: memref<128x128xf32, #tpu.memory_space<vmem>>, %arg4: memref<1024x128xf32, #tpu.memory_space<vmem>>, %arg5: memref<1024x128xf32, #tpu.memory_space<vmem>>) attributes {dimension_semantics = [#tpu.dimension_semantics<arbitrary>], iteration_bounds = array<i64: 10>, scalar_prefetch = 0 : i64, scratch_operands = 0 : i64, tpu.core_type = #tpu.core_type<tc>, window_params = [{transform_indices = @transform_0, window_bounds = array<i64: 1024, 128>}, {transform_indices = @transform_1, window_bounds = array<i64: 1024, 128>}, {pipeline_mode = #tpu.pipeline_mode<synchronous>, transform_indices = @transform_2, window_bounds = array<i64: 128, 128>}, {transform_indices = @transform_3, window_bounds = array<i64: 1024, 128>}, {transform_indices = @transform_4, window_bounds = array<i64: 1024, 128>}]} {
    %get3A = arith.constant 0 : index
    %get3A_0 = arith.constant 0 : index
    %get3A_1 = vector.load %arg2[%get3A, %get3A_0] : memref<1024x128xf32, #tpu.memory_space<vmem>>, vector<1024x128xf32>
    %get3A_2 = arith.constant 0 : index
    %get3A_3 = arith.constant 0 : index
    %get3A_4 = vector.load %arg1[%get3A_2, %get3A_3] : memref<1024x128xf32, #tpu.memory_space<vmem>>, vector<1024x128xf32>
    %mul3A = arith.mulf %get3A_4, %get3A_1 : vector<1024x128xf32>
    %max3A = arith.constant 0.000000e+00 : f32
    %max3A_5 = vector.broadcast %max3A : f32 to vector<1024x128xf32>
    %max3A_6 = arith.maximumf %mul3A, %max3A_5 : vector<1024x128xf32>
    %swap3A = arith.constant 0 : index
    %swap3A_7 = arith.constant 0 : index
    %swap3A_8 = vector.load %arg4[%swap3A, %swap3A_7] : memref<1024x128xf32, #tpu.memory_space<vmem>>, vector<1024x128xf32>
    tpu.vector_store %arg4[%swap3A, %swap3A_7], %max3A_6 {strides = array<i32>} : memref<1024x128xf32, #tpu.memory_space<vmem>>, vector<1024x128xf32>,
    %mul3A_9 = arith.mulf %max3A_6, %get3A_1 : vector<1024x128xf32>
    %get3A_10 = arith.constant 0 : index
    %get3A_11 = arith.constant 0 : index
    %get3A_12 = vector.load %arg3[%get3A_10, %get3A_11] : memref<128x128xf32, #tpu.memory_space<vmem>>, vector<128x128xf32>
    %dot_general3A = arith.constant dense<0.000000e+00> : vector<1024x128xf32>
    %dot_general3A_13 = tpu.matmul %mul3A_9, %get3A_12, %dot_general3A {dimension_numbers = #tpu.dot_dimension_numbers<[1], [0], [0], [1], [0, 0, 1, 1], [], []>, precision = #tpu.contract_precision<fp32>, transpose_lhs_hint = false} : vector<1024x128xf32>, vector<128x128xf32>, vector<1024x128xf32> -> vector<1024x128xf32>
    %swap3A_14 = arith.constant 0 : index
    %swap3A_15 = arith.constant 0 : index
    %swap3A_16 = vector.load %arg5[%swap3A_14, %swap3A_15] : memref<1024x128xf32, #tpu.memory_space<vmem>>, vector<1024x128xf32>
    tpu.vector_store %arg5[%swap3A_14, %swap3A_15], %dot_general3A_13 {strides = array<i32>} : memref<1024x128xf32, #tpu.memory_space<vmem>>, vector<1024x128xf32>,
    return
  }
  func.func @transform_0(%arg0: i32) -> (i32, i32) {
    %c0_i32 = arith.constant 0 : i32
    %c0_i32_0 = arith.constant 0 : i32
    return %arg0, %c0_i32 : i32, i32
  }
  func.func @transform_1(%arg0: i32) -> (i32, i32) {
    %c0_i32 = arith.constant 0 : i32
    %c0_i32_0 = arith.constant 0 : i32
    return %arg0, %c0_i32 : i32, i32
  }
  func.func @transform_2(%arg0: i32) -> (i32, i32) {
    %c0_i32 = arith.constant 0 : i32
    %c0_i32_0 = arith.constant 0 : i32
    %c0_i32_1 = arith.constant 0 : i32
    return %c0_i32, %c0_i32_0 : i32, i32
  }
  func.func @transform_3(%arg0: i32) -> (i32, i32) {
    %c0_i32 = arith.constant 0 : i32
    %c0_i32_0 = arith.constant 0 : i32
    return %arg0, %c0_i32 : i32, i32
  }
  func.func @transform_4(%arg0: i32) -> (i32, i32) {
    %c0_i32 = arith.constant 0 : i32
    %c0_i32_0 = arith.constant 0 : i32
    return %arg0, %c0_i32 : i32, i32
  }
}

module attributes {stable_mosaic.version = 14 : i64} {
  func.func @_post2_body(%arg0: i32, %arg1: memref<1024x128xf32, #tpu.memory_space<vmem>>, %arg2: memref<1024x128xf32, #tpu.memory_space<vmem>>, %arg3: memref<1024x128xf32, #tpu.memory_space<vmem>>) attributes {dimension_semantics = [#tpu.dimension_semantics<arbitrary>], iteration_bounds = array<i64: 10>, scalar_prefetch = 0 : i64, scratch_operands = 0 : i64, tpu.core_type = #tpu.core_type<tc>, window_params = [{transform_indices = @transform_0, window_bounds = array<i64: 1024, 128>}, {transform_indices = @transform_1, window_bounds = array<i64: 1024, 128>}, {transform_indices = @transform_2, window_bounds = array<i64: 1024, 128>}]} {
    %get3A = arith.constant 0 : index
    %get3A_0 = arith.constant 0 : index
    %get3A_1 = vector.load %arg1[%get3A, %get3A_0] : memref<1024x128xf32, #tpu.memory_space<vmem>>, vector<1024x128xf32>
    %get3A_2 = arith.constant 0 : index
    %get3A_3 = arith.constant 0 : index
    %get3A_4 = vector.load %arg2[%get3A_2, %get3A_3] : memref<1024x128xf32, #tpu.memory_space<vmem>>, vector<1024x128xf32>
    %mul3A = arith.mulf %get3A_1, %get3A_4 : vector<1024x128xf32>
    %max3A = arith.constant 0.000000e+00 : f32
    %max3A_5 = vector.broadcast %max3A : f32 to vector<1024x128xf32>
    %max3A_6 = arith.maximumf %mul3A, %max3A_5 : vector<1024x128xf32>
    %swap3A = arith.constant 0 : index
    %swap3A_7 = arith.constant 0 : index
    %swap3A_8 = vector.load %arg3[%swap3A, %swap3A_7] : memref<1024x128xf32, #tpu.memory_space<vmem>>, vector<1024x128xf32>
    tpu.vector_store %arg3[%swap3A, %swap3A_7], %max3A_6 {strides = array<i32>} : memref<1024x128xf32, #tpu.memory_space<vmem>>, vector<1024x128xf32>,
    return
  }
  func.func @transform_0(%arg0: i32) -> (i32, i32) {
    %c0_i32 = arith.constant 0 : i32
    %c0_i32_0 = arith.constant 0 : i32
    return %arg0, %c0_i32 : i32, i32
  }
  func.func @transform_1(%arg0: i32) -> (i32, i32) {
    %c0_i32 = arith.constant 0 : i32
    %c0_i32_0 = arith.constant 0 : i32
    return %arg0, %c0_i32 : i32, i32
  }
  func.func @transform_2(%arg0: i32) -> (i32, i32) {
    %c0_i32 = arith.constant 0 : i32
    %c0_i32_0 = arith.constant 0 : i32
    return %arg0, %c0_i32 : i32, i32
  }
}

</mosaic_0001>

<sc_bundles>
// kernel: kernel.11.cloned.1.call-start
scs
__scs_entry_jumppad:
0x0: {  	(pc) =	sbr.rel $0x88, $3  }
0x1: {  	(tag) =	ssettag $0x0;
	lr =	simm.s32 $0x1  }
0x2: {  	[smem:$0x3F9D] =	sst lr;
	_ =	strace $0xD0000000  }
0x3: {  	_ = 	snop  }
0x4: {  	_ = 	snop  }
0x5: {  	_ = 	snop  }
0x6: {  	_ = 	snop  }
0x7: {  	_ = 	snop  }
__scs_overlays_trampoline_lowered:
0x8: {  	[smem:$0x3FAC] =	sst s0  }
0x9: {  	[smem:$0x3FAD] =	sst s1  }
0xa: {  	[smem:$0x3FAE] =	sst s2  }
0xb: {  	[smem:$0x3FAF] =	sst s3  }
0xc: {  	[smem:$0x3FB0] =	sst s4  }
0xd: {  	[smem:$0x3FB1] =	sst s5  }
0xe: {  	[smem:$0x3FB2] =	sst s6  }
0xf: {  	[smem:$0x3FB3] =	sst s7  }
0x10: {  	[smem:$0x3FB4] =	sst s8  }
0x11: {  	[smem:$0x3FB5] =	sst s9;
	s0 =	simm.s32 @!p0 $0x0  }
0x12: {  	s1 =	sld [smem:$0x3F9B];
	s0 =	simm.s32 @p0 $0x1  }
0x13: {  	[smem:$0x3FB6] =	sst s0;
	s0 =	simm.s32 @!p1 $0x0  }
0x14: {  	s2 =	sld [smem:$0x3F9A];
	s0 =	simm.s32 @p1 $0x1  }
0x15: {  	[smem:$0x3FB7] =	sst s0;
	s0 =	simm.s32 @!p2 $0x0  }
0x16: {  	s3 =	sld [smem:$0x3FDB];
	s0 =	simm.s32 @p2 $0x1  }
0x17: {  	s4 =	simm.s32 $0x1BF5;
	[smem:$0x3FB9] =	sst s0  }
0x18: {  	s0 =	sld [smem:$0x3F9C];
	_ =	swait.ge [sflag:s4], $0x0  }
0x19: {  	s7 =	sld [smem:$0x3F9D]  }
0x1a: {  	s8 =	sadd.s32 $0xFFFFE003, lr  }
0x1b: {  	s9 =	sadd.s32 $0xFFFFFEF7, lr;
	s5 =	simm.s32 $0xFFFFFFFF;
	p2 =	slt.u32 s8, $0xFFFFF086  }
0x1c: {  	p1 =	slt.u32 s9, $0xF7A;
	s5 =	simm.s32 @!p2 $0x0  }
0x1d: {  	s5 =	simm.s32 @p1 $0x1;
	p0 =	seq.s32 s7, s2  }
0x1e: {  	s7 =	smul.u32 @!p0 $0xF7A, s2;
	p2 =	seq.s32 @!p0 s5, $0x0  }
0x1f: {  	s9 =	smul.u32 $0xF7A, s1;
	s8 =	simm.s32 @!p0 $0x1BF5;
	p2 =	por !p2, p0  }
0x20: {  	[sflag:s8] =	ssyncset.s32 @!p0 $0xFFFFF086;
	s6 =	sadd.s32 @!p0 s3, s7;
	s7 =	simm.s32 @!p0 $0x108  }
0x21: {  	s3 =	sadd.s32 s3, s9;
	s6 =	sadd.s32 @!p0 $0x88, s6;
	s7 =	simm.s32 @p2 $0x1082  }
0x22: {  	[simem:s7], [sflag:s8] =	dma.local @!p0 [hbm:s6], $0xF7A  }
0x23: {  	s9 =	sor.u32 $0xD0000000, s2;
	s6 =	simm.s32 $0x108;
	_ =	swait.ge @!p0 [sflag:s8], $0x0  }
0x24: {  	s3 =	sadd.s32 $0x88, s3;
	s6 =	simm.s32 @!p1 $0x1082;
	[sflag:s4] =	ssyncset.s32 $0xFFFFF086  }
0x25: {  	[simem:s6], [sflag:s4] =	dma.local [hbm:s3], $0xF7A  }
0x26: {  	[smem:$0x3F9D] =	sst s1;
	(tag) =	ssettag s2;
	_ =	strace s9  }
0x27: {  	s1 =	sld [smem:$0x3FAD]  }
0x28: {  	s2 =	sld [smem:$0x3FAE]  }
0x29: {  	s4 =	sld [smem:$0x3FB0]  }
0x2a: {  	p0 =	seq.s32 s5, $0x0;
	s5 =	sld [smem:$0x3FB1]  }
0x2b: {  	s6 =	sld [smem:$0x3FB2]  }
0x2c: {  	s7 =	sld [smem:$0x3FB3]  }
0x2d: {  	s3 =	simm.s32 $0x108;
	s8 =	sld [smem:$0x3FB4]  }
0x2e: {  	s3 =	simm.s32 @!p0 $0x1082;
	s9 =	sld [smem:$0x3FB5]  }
0x2f: {  	lr =	sadd.s32 s0, s3;
	s0 =	sld [smem:$0x3FAC]  }
0x30: {  	s3 =	sld [smem:$0x3FAF]  }
0x31: {  	[smem:$0x3FB8] =	sst s10  }
0x32: {  	s10 =	sld [smem:$0x3FB6];
	_ =	sdelay $0x3  }
0x33: {  	p0 =	seq.s32 s10, $0x1;
	s10 =	sld [smem:$0x3FB8];
	_ =	sdelay $0x3  }
0x34: {  	[smem:$0x3FB8] =	sst s10  }
0x35: {  	s10 =	sld [smem:$0x3FB7];
	_ =	sdelay $0x3  }
0x36: {  	p1 =	seq.s32 s10, $0x1;
	s10 =	sld [smem:$0x3FB8];
	_ =	sdelay $0x3  }
0x37: {  	[smem:$0x3FB8] =	sst s10  }
0x38: {  	s10 =	sld [smem:$0x3FB9]  }
0x39: {  	_ = 	snop;
	(pc) =	sbr.ind lr, $3  }
0x3a: {  	_ = 	snop  }
0x3b: {  	_ = 	snop  }
0x3c: {  	p2 =	seq.s32 s10, $0x1;
	s10 =	sld [smem:$0x3FB8]  }
0x3d: {  	_ =	shalt  }
0x3e: {  	_ =	shalt  }
0x3f: {  	_ =	shalt  }
0x40: {  	_ =	shalt  }
0x41: {  	_ =	shalt  }
0x42: {  	_ =	shalt  }
0x43: {  	_ =	shalt  }
0x44: {  	_ =	shalt  }
0x45: {  	_ =	shalt  }
0x46: {  	_ =	shalt  }
0x47: {  	_ =	shalt  }
0x48: {  	_ =	shalt  }
0x49: {  	_ =	shalt  }
0x4a: {  	_ =	shalt  }
0x4b: {  	_ =	shalt  }
0x4c: {  	_ =	shalt  }
0x4d: {  	_ =	shalt  }
0x4e: {  	_ =	shalt  }
0x4f: {  	_ =	shalt  }
0x50: {  	_ =	shalt  }
0x51: {  	_ =	shalt  }
0x52: {  	_ =	shalt  }
0x53: {  	_ =	shalt  }
0x54: {  	_ =	shalt  }
0x55: {  	_ =	shalt  }
0x56: {  	_ =	shalt  }
0x57: {  	_ =	shalt  }
0x58: {  	_ =	shalt  }
0x59: {  	_ =	shalt  }
0x5a: {  	_ =	shalt  }
0x5b: {  	_ =	shalt  }
0x5c: {  	_ =	shalt  }
0x5d: {  	_ =	shalt  }
0x5e: {  	_ =	shalt  }
0x5f: {  	_ =	shalt  }
0x60: {  	_ =	shalt  }
0x61: {  	_ =	shalt  }
0x62: {  	_ =	shalt  }
0x63: {  	_ =	shalt  }
0x64: {  	_ =	shalt  }
0x65: {  	_ =	shalt  }
0x66: {  	_ =	shalt  }
0x67: {  	_ =	shalt  }
0x68: {  	_ =	shalt  }
0x69: {  	_ =	shalt  }
0x6a: {  	_ =	shalt  }
0x6b: {  	_ =	shalt  }
0x6c: {  	_ =	shalt  }
0x6d: {  	_ =	shalt  }
0x6e: {  	_ =	shalt  }
0x6f: {  	_ =	shalt  }
0x70: {  	_ =	shalt  }
0x71: {  	_ =	shalt  }
0x72: {  	_ =	shalt  }
0x73: {  	_ =	shalt  }
0x74: {  	_ =	shalt  }
0x75: {  	_ =	shalt  }
0x76: {  	_ =	shalt  }
0x77: {  	_ =	shalt  }
0x78: {  	_ =	shalt  }
0x79: {  	_ =	shalt  }
0x7a: {  	_ =	shalt  }
0x7b: {  	_ =	shalt  }
0x7c: {  	_ =	shalt  }
0x7d: {  	_ =	shalt  }
0x7e: {  	_ =	shalt  }
0x7f: {  	_ =	shalt  }
0x80: {  	_ =	shalt  }
0x81: {  	_ =	shalt  }
0x82: {  	_ =	shalt  }
0x83: {  	_ =	shalt  }
0x84: {  	_ =	shalt  }
0x85: {  	_ =	shalt  }
0x86: {  	_ =	shalt  }
0x87: {  	_ =	shalt  }
.Lfunc_end0:
.L_simem_size_0:
called_computation.1_lowered:
.L_overlay_start_0:
0x88: {  	s2 =	sld [smem:$0x3FD9]  }
0x89: {  	s3 =	sld [smem:$0x3FFE];
	_ =	sdelay $0x1  }
0x8a: {  	s1 =	srdreg.scid  }
0x8b: {  	s0 =	sand.u32 $0x1, s1  }
0x8c: {  	s17 =	sshll.u32 s0, $0xA;
	s2 =	sadd.s32 s3, s2  }
0x8d: {  	s2 =	sadd.s32 s2, s17  }
0x8e: {  	[smem:$0x3FC4] =	sst s2  }
0x8f: {  	_ = 	snop  }
0x90: {  	s2 =	sld [smem:$0x3FD0];
	(tm) =	ssettm $0x1  }
0x91: {  	s18 =	sld [smem:$0x3FFB];
	_ =	sdelay $0x3  }
0x92: {  	_ =	strace s18  }
0x93: {  	s3 =	sld [smem:$0x3FFC];
	_ =	sdelay $0x3  }
0x94: {  	_ =	strace s3  }
0x95: {  	s3 =	sld [smem:$0x3FFD];
	_ =	sdelay $0x3  }
0x96: {  	_ =	strace s3  }
0x97: {  	_ =	strace $0x8FFFFFFF  }
0x98: {  	s19 =	sld [smem:$0x3FDB];
	_ =	sdelay $0x1  }
0x99: {  	s4 =	simm.s32 $_scs_section_size  }
0x9a: {  	s5 =	simm.s32 $_size__tile_overlayer_lowered;
	s6 =	simm.s32 $_tile_overlayer_lowered  }
0x9b: {  	s22 =	simm.s32 $0x1BFF;
	s21 =	sshll.u32 s6, $0x1;
	s3 =	sadd.s32 s4, s19  }
0x9c: {  	s7 =	simm.s32 $0x0;
	s20 =	sshll.u32 s5, $0x1;
	s5 =	sadd.s32 s21, s3  }
0x9d: {  	[timem:s7], [sflag:s22] =	dma.local [hbm:s5], s20  }
0x9e: {  	_ =	swait.ge [sflag:s22], s20  }
0x9f: {  	s4 =	ssub.s32 $0x0, s20;
	[sflag:s22] =	ssyncset.done $0x0  }
0xa0: {  	[sflag:s22] =	ssyncadd.s32 s4;
	_ =	sdelay $0x1  }
0xa1: {  	s23 =	simm.s32 $0x1B8B  }
0xa2: {  	_ =	swait.ge [sflag:s23], $0x1  }
0xa3: {  	[sflag:s23] =	ssyncset.done $0x0  }
0xa4: {  	s25 =	simm.s32 $0x1B8E;
	s24 =	sld [smem:$0x3FFE];
	[sflag:s23] =	ssyncadd.s32 $0xFFFFFFFF  }
0xa5: {  	s26 =	simm.s32 $execute0_lowered;
	[smem:$0x3FD2] =	sst s25  }
0xa6: {  	s5 =	sshll.u32 s26, $0x1;
	_ =	strace $0x80000049;
	[dreg:$0x1] =	wrdreg $0xFFFFFFFF  }
0xa7: {  	s28 =	simm.s32 $_size_execute0_lowered;
	s3 =	sadd.s32 s3, s5;
	[dreg:$0x0] =	wrdreg $0x0  }
0xa8: {  	s5 =	sshll.u32 s28, $0x1;
	[dreg:$0x2] =	wrdreg s3  }
0xa9: {  	[dreg:$0x3] =	wrdreg s5  }
0xaa: {  	[dreg:$0x4] =	wrdreg $0xC0  }
0xab: {  	_ =	task [dreg:s7], $0x5FFFF  }
0xac: {  	[dreg:$0x1] =	wrdreg $0xFFFFFFFF  }
0xad: {  	[dreg:$0x0] =	wrdreg $0x60  }
0xae: {  	[dreg:$0x2] =	wrdreg s2  }
0xaf: {  	[dreg:$0x3] =	wrdreg s24  }
0xb0: {  	[dreg:$0x4] =	wrdreg $0x90800  }
0xb1: {  	[dreg:$0x5] =	wrdreg $0x130800  }
0xb2: {  	[dreg:$0x6] =	wrdreg $0x9  }
0xb3: {  	_ =	task.clear_ibuf [dreg:s7], $0x7FFFF;
	_ =	strace $0x90000049  }
0xb4: {  	s29 =	simm.s32 $0x9;
	_ =	strace $0x8000004B  }
0xb5: {  	_ =	swait.ge [sflag:s29], $0x1  }
0xb6: {  	[sflag:s29] =	ssyncadd.s32 $0xFFFFFFFF  }
0xb7: {  	_ =	strace $0x9000004B  }
0xb8: {  	_ =	sfence  }
0xb9: {  	s30 =	sld [smem:$0x0];
	_ =	sdelay $0x2  }
0xba: {  	s31 =	sshll.u32 s1, $0xD;
	s1 =	sshrl.u32 s1, $0x2  }
0xbb: {  	s3 =	sand.u32 $0x4000, s31;
	s1 =	sadd.s32 s1, s30  }
0xbc: {  	s0 =	sor.u32 s3, s0;
	s1 =	sshll.u32 s1, $0x11  }
0xbd: {  	s0 =	sor.u32 s1, s0  }
0xbe: {  	s0 =	sadd.s32 $0x8F2B, s0  }
0xbf: {  	[sflag:s0] =	ssyncadd.remote.s32 $0x1  }
0xc0: {  	_ =	sfence.sel $0xFFFF  }
0xc1: {  	[dreg:$0x0] =	wrdreg $0xFFFFFFFF;
	(pc) =	sbr.abs _section_cstart, $3  }
0xc2: {  	[dreg:$0x1] =	wrdreg $0xFFFFFFFF  }
0xc3: {  	_ =	task.clear_ibuf [dreg:s7], $0x2FFFF;
	_ =	strace $0x9FFFFFFF  }
0xc4: {  	(tm) =	ssettm $0x7FFFFFFF  }
0xc5: {  	_ =	shalt  }
tec
execute0_lowered:
.L_overlay_start_1:
0x0: {  	(tag) =	ssettag $0x1  }
0x1: {  	s1 =	rddreg [dreg:$0x0]  }
0x2: {  	s0 =	rddreg [dreg:$0x1]  }
0x3: {  	s3 =	rddreg [dreg:$0x2];
	s19 =	stileid.u32  }
0x4: {  	s2 =	srdreg.scid;
	s4 =	rddreg [dreg:$0x3]  }
0x5: {  	s5 =	simm.s32 $0x0;
	s24 =	simm.s32 $0x2;
	s11 =	smul.u32 $0xA000, s19  }
0x6: {  	s25 =	simm.s32 $0x80;
	s26 =	simm.s32 $0x7080;
	s22 =	smul.u32 $0xA00, s19  }
0x7: {  	s28 =	simm.s32 $0x1;
	s31 =	simm.s32 $0x5000;
	s17 =	smul.u32 $0x5000, s19  }
0x8: {  	s2 =	sand.u32 $0x1, s2;
	[smem:$0x7FF] =	sst s5;
	s21 =	smul.u32 $0x500, s19  }
0x9: {  	s23 =	sadd.s32 $0x2200, s0;
	s6 =	smul.u32 $0xA0000, s2;
	s7 =	ssub.s32 $0x2, s2  }
0xa: {  	_ =	strace $0x8000004A;
	s16 =	sadd.s32 s22, s0;
	s29 =	sshrl.u32 s7, $0x1  }
0xb: {  	s12 =	sadd.s32 $0x2000, s11;
	s13 =	sadd.s32 $0x4000, s11;
	s14 =	sadd.s32 $0x6000, s11  }
0xc: {  	s15 =	sadd.s32 $0x8000, s11;
	s17 =	sshrl.u32 s17, $0x3;
	s21 =	sor.u32 s2, s21  }
0xd: {  	s22 =	sadd.s32 s22, s23;
	s6 =	sadd.s32 s11, s6;
	s20 =	ssub.s32 s7, s29  }
0xe: {  	s30 =	sadd.s32 s12, s3;
	s8 =	sadd.s32 s13, s3;
	s9 =	sadd.s32 s14, s3  }
0xf: {  	s10 =	sadd.s32 s15, s3;
	s12 =	sadd.s32 s12, s4;
	s13 =	sadd.s32 s13, s4  }
0x10: {  	s14 =	sadd.s32 s14, s4;
	s15 =	sadd.s32 s15, s4;
	s18 =	sadd.s32 s23, s17  }
0x11: {  	s16 =	sadd.s32 $0xCC00, s16;
	s23 =	simm.s32 $0x5080;
	s6 =	sshrl.u32 s6, $0x3  }
0x12: {  	[dreg:$0x5] =	wrdreg s30;
	s17 =	sadd.s32 $0x9E0, s18;
	s18 =	sadd.s32 $0x9F0, s18  }
0x13: {  	v1 =	vlaneseq.u32;
	s20 =	smax.u32 s20, $0x1;
	s0 =	sadd.s32 s6, s0;
	s6 =	sadd.s32 s11, s3  }
0x14: {  	v0 =	vimm.f32 $0.0e+00;
	v1 =	vmul.u32 $0x2, v1;
	s11 =	sadd.s32 s11, s4;
	s19 =	sadd.s32 $0x16C00, s0;
	s0 =	simm.s32 $0x0  }
.LBB2_1:
0x15: {  	s30 =	simm.s32 $0x100;
	s29 =	simm.s32 $0x0  }
.LBB2_2:
0x16: {  	p0 =	sne.s32 s30, $0x7F00;
	[tilespmem:s29+$0x50B0] =	vst v0;
	s2 =	smov.u32 s30;
	s30 =	sadd.s32 $0x100, s30  }
.Ltmp0:
0x17: {  	[tilespmem:s29+$0x50A0] =	vst v0;
	(pc) =	sbr.rel @p0 .LBB2_2-.Ltmp0, $3  }
0x18: {  	[tilespmem:s29+$0x5080] =	vst v0  }
0x19: {  	[tilespmem:s29+$0x5090] =	vst v0;
	_ =	sdelay $0x1  }
0x1a: {  	s29 =	sshra.s32 s2, $0x2  }
0x1b: {  	[tilespmem:s29+$0x50B0] =	vst v0  }
0x1c: {  	[tilespmem:s29+$0x50A0] =	vst v0  }
0x1d: {  	[tilespmem:s29+$0x5080] =	vst v0  }
0x1e: {  	[tilespmem:s29+$0x5090] =	vst v0  }
0x1f: {  	[spmem:s6] =	stream.linear.scatter [tilespmem:s23], [sflag:$0x2], $0x2000, $0x38;
	[tilespmem:$0x1D080] =	vst v63  }
0x20: {  	_ =	swait.ge [sflag:s24], $0x2000  }
0x21: {  	[sflag:s24] =	ssyncset.done $0x0  }
0x22: {  	s2 =	rddreg [dreg:$0x5];
	[sflag:s24] =	ssyncadd.s32 $0xFFFFE000  }
0x23: {  	[spmem:s2] =	stream.linear.scatter [tilespmem:s23], [sflag:$0x2], $0x2000, $0x38;
	[tilespmem:$0x1D080] =	vst v63  }
0x24: {  	_ =	swait.ge [sflag:s24], $0x2000  }
0x25: {  	[sflag:s24] =	ssyncset.done $0x0  }
0x26: {  	[sflag:s24] =	ssyncadd.s32 $0xFFFFE000  }
0x27: {  	[spmem:s8] =	stream.linear.scatter [tilespmem:s23], [sflag:$0x2], $0x2000, $0x38;
	[tilespmem:$0x1D080] =	vst v63  }
0x28: {  	_ =	swait.ge [sflag:s24], $0x2000  }
0x29: {  	[sflag:s24] =	ssyncset.done $0x0  }
0x2a: {  	[sflag:s24] =	ssyncadd.s32 $0xFFFFE000  }
0x2b: {  	[spmem:s9] =	stream.linear.scatter [tilespmem:s23], [sflag:$0x2], $0x2000, $0x38;
	[tilespmem:$0x1D080] =	vst v63  }
0x2c: {  	_ =	swait.ge [sflag:s24], $0x2000  }
0x2d: {  	[sflag:s24] =	ssyncset.done $0x0  }
0x2e: {  	[sflag:s24] =	ssyncadd.s32 $0xFFFFE000  }
0x2f: {  	[spmem:s10] =	stream.linear.scatter [tilespmem:s23], [sflag:$0x2], $0x2000, $0x38;
	[tilespmem:$0x1D080] =	vst v63  }
0x30: {  	_ =	swait.ge [sflag:s24], $0x2000  }
0x31: {  	s29 =	simm.s32 $0x40;
	[sflag:s24] =	ssyncset.done $0x0  }
0x32: {  	v2 =	vor.u32 s21, v1;
	s30 =	smov.u32 s21;
	s2 =	simm.s32 $0x0;
	[sflag:s24] =	ssyncadd.s32 $0xFFFFE000  }
.LBB2_4:
0x33: {  	p0 =	sne.s32 s29, $0x9C0  }
0x34: {  	[tilespmem:s2+$0x0] =	vst v2;
	s30 =	sadd.s32 $0x20, s30;
	s2 =	smov.u32 s29;
	s29 =	sadd.s32 $0x40, s29  }
.Ltmp1:
0x35: {  	(pc) =	sbr.rel @p0 .LBB2_4-.Ltmp1, $2  }
0x36: {  	_ =	sdelay $0x2  }
0x37: {  	v2 =	vor.u32 s30, v1;
	s2 =	sshra.s32 s2, $0x2  }
0x38: {  	[tilespmem:s2+$0x0] =	vst v2;
	s2 =	simm.s32 $0x0  }
0x39: {  	[tilespmem:s26], [sflag:$0x1] =	stream.indirect.gather [hbm4b:s1+s25], $0x40, s2, s25, $0xb8;
	[tilespmem:$0x1D080] =	vst v63  }
0x3a: {  	_ =	swait.ge [sflag:s28], $0x2000  }
0x3b: {  	[sflag:s28] =	ssyncset.done $0x0  }
0x3c: {  	[sflag:s28] =	ssyncadd.s32 $0xFFFFE000  }
0x3d: {  	[spmem:s11] =	stream.linear.scatter [tilespmem:s26], [sflag:$0x2], $0x2000, $0x38;
	[tilespmem:$0x1D080] =	vst v63  }
0x3e: {  	_ =	swait.ge [sflag:s24], $0x2000  }
0x3f: {  	[sflag:s24] =	ssyncset.done $0x0  }
0x40: {  	[sflag:s24] =	ssyncadd.s32 $0xFFFFE000  }
0x41: {  	[tilespmem:s26], [sflag:$0x1] =	stream.indirect.gather [hbm4b:s1+s25], $0x40, s25, s25, $0xb8;
	[tilespmem:$0x1D080] =	vst v63  }
0x42: {  	_ =	swait.ge [sflag:s28], $0x2000  }
0x43: {  	[sflag:s28] =	ssyncset.done $0x0  }
0x44: {  	[sflag:s28] =	ssyncadd.s32 $0xFFFFE000  }
0x45: {  	[spmem:s12] =	stream.linear.scatter [tilespmem:s26], [sflag:$0x2], $0x2000, $0x38;
	[tilespmem:$0x1D080] =	vst v63  }
0x46: {  	_ =	swait.ge [sflag:s24], $0x2000  }
0x47: {  	[sflag:s24] =	ssyncset.done $0x0  }
0x48: {  	s29 =	simm.s32 $0x100;
	[sflag:s24] =	ssyncadd.s32 $0xFFFFE000  }
0x49: {  	[tilespmem:s26], [sflag:$0x1] =	stream.indirect.gather [hbm4b:s1+s25], $0x40, s29, s25, $0xb8;
	[tilespmem:$0x1D080] =	vst v63  }
0x4a: {  	_ =	swait.ge [sflag:s28], $0x2000  }
0x4b: {  	[sflag:s28] =	ssyncset.done $0x0  }
0x4c: {  	[sflag:s28] =	ssyncadd.s32 $0xFFFFE000  }
0x4d: {  	[spmem:s13] =	stream.linear.scatter [tilespmem:s26], [sflag:$0x2], $0x2000, $0x38;
	[tilespmem:$0x1D080] =	vst v63  }
0x4e: {  	_ =	swait.ge [sflag:s24], $0x2000  }
0x4f: {  	[sflag:s24] =	ssyncset.done $0x0  }
0x50: {  	s7 =	simm.s32 $0x180;
	[sflag:s24] =	ssyncadd.s32 $0xFFFFE000  }
0x51: {  	[tilespmem:s26], [sflag:$0x1] =	stream.indirect.gather [hbm4b:s1+s25], $0x40, s7, s25, $0xb8;
	[tilespmem:$0x1D080] =	vst v63  }
0x52: {  	_ =	swait.ge [sflag:s28], $0x2000  }
0x53: {  	[sflag:s28] =	ssyncset.done $0x0  }
0x54: {  	[sflag:s28] =	ssyncadd.s32 $0xFFFFE000  }
0x55: {  	[spmem:s14] =	stream.linear.scatter [tilespmem:s26], [sflag:$0x2], $0x2000, $0x38;
	[tilespmem:$0x1D080] =	vst v63  }
0x56: {  	_ =	swait.ge [sflag:s24], $0x2000  }
0x57: {  	[sflag:s24] =	ssyncset.done $0x0  }
0x58: {  	s7 =	simm.s32 $0x200;
	[sflag:s24] =	ssyncadd.s32 $0xFFFFE000  }
0x59: {  	[tilespmem:s26], [sflag:$0x1] =	stream.indirect.gather [hbm4b:s1+s25], $0x40, s7, s25, $0xb8;
	[tilespmem:$0x1D080] =	vst v63  }
0x5a: {  	_ =	swait.ge [sflag:s28], $0x2000  }
0x5b: {  	[sflag:s28] =	ssyncset.done $0x0  }
0x5c: {  	[sflag:s28] =	ssyncadd.s32 $0xFFFFE000  }
0x5d: {  	[spmem:s15] =	stream.linear.scatter [tilespmem:s26], [sflag:$0x2], $0x2000, $0x38;
	[tilespmem:$0x1D080] =	vst v63  }
0x5e: {  	_ =	swait.ge [sflag:s24], $0x2000  }
0x5f: {  	[sflag:s24] =	ssyncset.done $0x0  }
0x60: {  	[sflag:s24] =	ssyncadd.s32 $0xFFFFE000  }
0x61: {  	[bflag:$0x0] =	sbarrier.arrive $0xFFFF  }
0x62: {  	[tilespmem:s2], [sflag:$0x2] =	stream.linear.gather [hbm4b:s16+s2], $0x5000, $0x38;
	[tilespmem:$0x1D080] =	vst v63  }
0x63: {  	_ =	swait.ge [sflag:s24], $0x5000  }
0x64: {  	[sflag:s24] =	ssyncset.done $0x0  }
0x65: {  	[sflag:s24] =	ssyncadd.s32 $0xFFFFB000  }
0x66: {  	[tilespmem:s23], [sflag:$0x1] =	stream.indirect.gather [spmem:s4], $0x40, s2, s25, $0xb8;
	[tilespmem:$0x1D080] =	vst v63  }
0x67: {  	_ =	swait.ge [sflag:s28], $0x2000  }
0x68: {  	[sflag:s28] =	ssyncset.done $0x0  }
0x69: {  	s7 =	simm.s32 $0x80;
	[sflag:s28] =	ssyncadd.s32 $0xFFFFE000  }
0x6a: {  	[tilespmem:s26], [sflag:$0x1] =	stream.indirect.gather [spmem:s4], $0x40, s7, s25, $0xb8;
	[tilespmem:$0x1D080] =	vst v63  }
0x6b: {  	s7 =	sadd.s32 $0x0, s22  }
0x6c: {  	[tilespmem:s31], [sflag:$0x2] =	stream.linear.gather [hbm4b:s7+s5], $0x80, $0x38;
	[tilespmem:$0x1D080] =	vst v63  }
0x6d: {  	_ =	swait.ge [sflag:s24], $0x80  }
0x6e: {  	[sflag:s24] =	ssyncset.done $0x0  }
0x6f: {  	[sflag:s24] =	ssyncadd.s32 $0xFFFFFF80  }
0x70: {  	[spmem:s3] =	stream.indirect.scatter.add.f32 [tilespmem:s23], [sflag:$0x2], $0x40, s31, s25, $0xb8;
	[tilespmem:$0x1D080] =	vst v63  }
0x71: {  	_ =	swait.ge [sflag:s24], $0x2000  }
0x72: {  	[sflag:s24] =	ssyncset.done $0x0  }
0x73: {  	[sflag:s24] =	ssyncadd.s32 $0xFFFFE000  }
0x74: {  	_ =	swait.ge [sflag:s28], $0x2000  }
0x75: {  	[sflag:s28] =	ssyncset.done $0x0  }
0x76: {  	[sflag:s28] =	ssyncadd.s32 $0xFFFFE000  }
0x77: {  	[tilespmem:s23], [sflag:$0x1] =	stream.indirect.gather [spmem:s4], $0x40, s29, s25, $0xb8;
	[tilespmem:$0x1D080] =	vst v63  }
0x78: {  	s2 =	sadd.s32 $0x10, s7  }
0x79: {  	[tilespmem:s31], [sflag:$0x2] =	stream.linear.gather [hbm4b:s2+s5], $0x80, $0x38;
	[tilespmem:$0x1D080] =	vst v63  }
0x7a: {  	_ =	swait.ge [sflag:s24], $0x80  }
0x7b: {  	[sflag:s24] =	ssyncset.done $0x0  }
0x7c: {  	[sflag:s24] =	ssyncadd.s32 $0xFFFFFF80  }
0x7d: {  	[spmem:s3] =	stream.indirect.scatter.add.f32 [tilespmem:s26], [sflag:$0x2], $0x40, s31, s25, $0xb8;
	[tilespmem:$0x1D080] =	vst v63  }
0x7e: {  	_ =	swait.ge [sflag:s24], $0x2000  }
0x7f: {  	s30 =	simm.s32 $0x20;
	[sflag:s24] =	ssyncset.done $0x0  }
.LBB2_6:
0x80: {  	p0 =	sne.s32 s30, $0x9C0;
	[sflag:s24] =	ssyncadd.s32 $0xFFFFE000;
	s29 =	sadd.s32 $0x100, s29  }
0x81: {  	s2 =	smov.u32 s30;
	s30 =	sadd.s32 $0x20, s30;
	_ =	swait.ge [sflag:s28], $0x2000  }
0x82: {  	[sflag:s28] =	ssyncset.done $0x0  }
0x83: {  	s7 =	sadd.s32 $0xFFFFFF80, s29;
	[sflag:s28] =	ssyncadd.s32 $0xFFFFE000  }
0x84: {  	[tilespmem:s26], [sflag:$0x1] =	stream.indirect.gather [spmem:s4], $0x40, s7, s25, $0xb8;
	[tilespmem:$0x1D080] =	vst v63  }
0x85: {  	s2 =	sadd.s32 s2, s22  }
0x86: {  	[tilespmem:s31], [sflag:$0x2] =	stream.linear.gather [hbm4b:s2+s5], $0x80, $0x38;
	[tilespmem:$0x1D080] =	vst v63  }
0x87: {  	_ =	swait.ge [sflag:s24], $0x80  }
0x88: {  	[sflag:s24] =	ssyncset.done $0x0  }
0x89: {  	[sflag:s24] =	ssyncadd.s32 $0xFFFFFF80  }
0x8a: {  	[spmem:s3] =	stream.indirect.scatter.add.f32 [tilespmem:s23], [sflag:$0x2], $0x40, s31, s25, $0xb8;
	[tilespmem:$0x1D080] =	vst v63  }
0x8b: {  	_ =	swait.ge [sflag:s24], $0x2000  }
0x8c: {  	[sflag:s24] =	ssyncset.done $0x0  }
0x8d: {  	[sflag:s24] =	ssyncadd.s32 $0xFFFFE000  }
0x8e: {  	_ =	swait.ge [sflag:s28], $0x2000  }
0x8f: {  	[sflag:s28] =	ssyncset.done $0x0  }
0x90: {  	[sflag:s28] =	ssyncadd.s32 $0xFFFFE000  }
0x91: {  	[tilespmem:s23], [sflag:$0x1] =	stream.indirect.gather [spmem:s4], $0x40, s29, s25, $0xb8;
	[tilespmem:$0x1D080] =	vst v63  }
0x92: {  	s2 =	sadd.s32 $0x10, s2  }
0x93: {  	[tilespmem:s31], [sflag:$0x2] =	stream.linear.gather [hbm4b:s2+s5], $0x80, $0x38;
	[tilespmem:$0x1D080] =	vst v63  }
0x94: {  	_ =	swait.ge [sflag:s24], $0x80  }
.Ltmp2:
0x95: {  	[sflag:s24] =	ssyncset.done $0x0;
	(pc) =	sbr.rel @p0 .LBB2_6-.Ltmp2, $4  }
0x96: {  	[sflag:s24] =	ssyncadd.s32 $0xFFFFFF80  }
0x97: {  	[spmem:s3] =	stream.indirect.scatter.add.f32 [tilespmem:s26], [sflag:$0x2], $0x40, s31, s25, $0xb8;
	[tilespmem:$0x1D080] =	vst v63  }
0x98: {  	_ =	swait.ge [sflag:s24], $0x2000  }
0x99: {  	[sflag:s24] =	ssyncset.done $0x0  }
0x9a: {  	[sflag:s24] =	ssyncadd.s32 $0xFFFFE000  }
0x9b: {  	_ =	swait.ge [sflag:s28], $0x2000  }
0x9c: {  	[sflag:s28] =	ssyncset.done $0x0  }
0x9d: {  	s2 =	simm.s32 $0x4F80;
	[sflag:s28] =	ssyncadd.s32 $0xFFFFE000  }
0x9e: {  	[tilespmem:s26], [sflag:$0x1] =	stream.indirect.gather [spmem:s4], $0x40, s2, s25, $0xb8;
	[tilespmem:$0x1D080] =	vst v63  }
0x9f: {  	_ = 	snop  }
0xa0: {  	[tilespmem:s31], [sflag:$0x2] =	stream.linear.gather [hbm4b:s17+s5], $0x80, $0x38;
	[tilespmem:$0x1D080] =	vst v63  }
0xa1: {  	_ =	swait.ge [sflag:s24], $0x80  }
0xa2: {  	[sflag:s24] =	ssyncset.done $0x0  }
0xa3: {  	[sflag:s24] =	ssyncadd.s32 $0xFFFFFF80  }
0xa4: {  	[spmem:s3] =	stream.indirect.scatter.add.f32 [tilespmem:s23], [sflag:$0x2], $0x40, s31, s25, $0xb8;
	[tilespmem:$0x1D080] =	vst v63  }
0xa5: {  	_ =	swait.ge [sflag:s24], $0x2000  }
0xa6: {  	[sflag:s24] =	ssyncset.done $0x0  }
0xa7: {  	[sflag:s24] =	ssyncadd.s32 $0xFFFFE000  }
0xa8: {  	_ =	swait.ge [sflag:s28], $0x2000  }
0xa9: {  	[sflag:s28] =	ssyncset.done $0x0  }
0xaa: {  	[sflag:s28] =	ssyncadd.s32 $0xFFFFE000  }
0xab: {  	[tilespmem:s31], [sflag:$0x2] =	stream.linear.gather [hbm4b:s18+s5], $0x80, $0x38;
	[tilespmem:$0x1D080] =	vst v63  }
0xac: {  	_ =	swait.ge [sflag:s24], $0x80  }
0xad: {  	[sflag:s24] =	ssyncset.done $0x0  }
0xae: {  	[sflag:s24] =	ssyncadd.s32 $0xFFFFFF80  }
0xaf: {  	[spmem:s3] =	stream.indirect.scatter.add.f32 [tilespmem:s26], [sflag:$0x2], $0x40, s31, s25, $0xb8;
	[tilespmem:$0x1D080] =	vst v63  }
0xb0: {  	s30 =	stileid.u32;
	_ =	swait.ge [sflag:s24], $0x2000  }
0xb1: {  	s7 =	sshrl.u32 s6, $0x3;
	s0 =	sadd.s32 $0x1, s0;
	[sflag:s24] =	ssyncset.done $0x0  }
0xb2: {  	p0 =	sne.s32 s0, s20;
	s2 =	sshll.u32 s30, $0x6;
	[sflag:s24] =	ssyncadd.s32 $0xFFFFE000  }
.Ltmp3:
0xb3: {  	s2 =	sor.u32 $0x1C02, s2;
	[bflag:$0x0] =	sbarrier.arrive $0xFFFF;
	(pc) =	sbr.rel @p0 .LBB2_1-.Ltmp3, $4  }
0xb4: {  	[hbm:s19], [sflag:s2] =	dma.local [spmem:s7], $0x1400  }
0xb5: {  	_ =	swait.ge [sflag:s24], $0x1400  }
0xb6: {  	[sflag:s24] =	ssyncset.done $0x0  }
0xb7: {  	[sflag:s24] =	ssyncadd.s32 $0xFFFFEC00  }
0xb8: {  	_ =	sfence.sel $0x180000  }
0xb9: {  	[bflag:$0x0] =	sbarrier.arrive $0xFFFF  }
0xba: {  	_ =	strace $0x9000004A  }
0xbb: {  	s0 =	stileid.u32;
	[bflag:$0x2] =	sbarrier.arrive $0xFFFF  }
0xbc: {  	p0 =	sne.s32 s0, $0x0;
	s0 =	rddreg [dreg:$0x4]  }
0xbd: {  	s0 =	sadd.s32 @!p0 $0x100000, s0  }
0xbe: {  	[sflag:s0] =	ssyncadd.tile.s32 @!p0 $0x1;
	_ =	shalt  }
.Lfunc_end2:
_tile_overlayer_lowered:
.L_overlay_start_2:
0xbf: {  	(tag) =	ssettag $0x2  }
0xc0: {  	s0 =	rddreg [dreg:$0x0];
	s2 =	stileid.u32  }
0xc1: {  	s1 =	rddreg [dreg:$0x1];
	p0 =	sne.s32 s2, $0x0  }
0xc2: {  	s3 =	rddreg [dreg:$0x2];
	[bflag:$0x3] =	sbarrier.arrive $0xFFFF;
	s2 =	simm.s32 @!p0 $0x1C02  }
0xc3: {  	[timem:s3], [sflag:s2] =	dma.local @!p0 [hbm:s0], s1  }
0xc4: {  	s0 =	simm.s32 @!p0 $0x2  }
0xc5: {  	_ =	swait.ge @!p0 [sflag:s0], s1  }
0xc6: {  	s1 =	ssub.s32 @!p0 $0x0, s1;
	[sflag:s0] =	ssyncset.done @!p0 $0x0  }
0xc7: {  	[sflag:s0] =	ssyncadd.s32 @!p0 s1  }
0xc8: {  	[bflag:$0x3] =	sbarrier.arrive $0xFFFF  }
0xc9: {  	_ =	shalt  }

// kernel: kernel.14.cloned.1.call-start
scs
__scs_entry_jumppad:
0x0: {  	(pc) =	sbr.rel $0x88, $3  }
0x1: {  	(tag) =	ssettag $0x0;
	lr =	simm.s32 $0x1  }
0x2: {  	[smem:$0x3F9D] =	sst lr;
	_ =	strace $0xD0000000  }
0x3: {  	_ = 	snop  }
0x4: {  	_ = 	snop  }
0x5: {  	_ = 	snop  }
0x6: {  	_ = 	snop  }
0x7: {  	_ = 	snop  }
__scs_overlays_trampoline_lowered:
0x8: {  	[smem:$0x3FAC] =	sst s0  }
0x9: {  	[smem:$0x3FAD] =	sst s1  }
0xa: {  	[smem:$0x3FAE] =	sst s2  }
0xb: {  	[smem:$0x3FAF] =	sst s3  }
0xc: {  	[smem:$0x3FB0] =	sst s4  }
0xd: {  	[smem:$0x3FB1] =	sst s5  }
0xe: {  	[smem:$0x3FB2] =	sst s6  }
0xf: {  	[smem:$0x3FB3] =	sst s7  }
0x10: {  	[smem:$0x3FB4] =	sst s8  }
0x11: {  	[smem:$0x3FB5] =	sst s9;
	s0 =	simm.s32 @!p0 $0x0  }
0x12: {  	s1 =	sld [smem:$0x3F9B];
	s0 =	simm.s32 @p0 $0x1  }
0x13: {  	[smem:$0x3FB6] =	sst s0;
	s0 =	simm.s32 @!p1 $0x0  }
0x14: {  	s2 =	sld [smem:$0x3F9A];
	s0 =	simm.s32 @p1 $0x1  }
0x15: {  	[smem:$0x3FB7] =	sst s0;
	s0 =	simm.s32 @!p2 $0x0  }
0x16: {  	s3 =	sld [smem:$0x3FDB];
	s0 =	simm.s32 @p2 $0x1  }
0x17: {  	s4 =	simm.s32 $0x1BF5;
	[smem:$0x3FB9] =	sst s0  }
0x18: {  	s0 =	sld [smem:$0x3F9C];
	_ =	swait.ge [sflag:s4], $0x0  }
0x19: {  	s7 =	sld [smem:$0x3F9D]  }
0x1a: {  	s8 =	sadd.s32 $0xFFFFE003, lr  }
0x1b: {  	s9 =	sadd.s32 $0xFFFFFEF7, lr;
	s5 =	simm.s32 $0xFFFFFFFF;
	p2 =	slt.u32 s8, $0xFFFFF086  }
0x1c: {  	p1 =	slt.u32 s9, $0xF7A;
	s5 =	simm.s32 @!p2 $0x0  }
0x1d: {  	s5 =	simm.s32 @p1 $0x1;
	p0 =	seq.s32 s7, s2  }
0x1e: {  	s7 =	smul.u32 @!p0 $0xF7A, s2;
	p2 =	seq.s32 @!p0 s5, $0x0  }
0x1f: {  	s9 =	smul.u32 $0xF7A, s1;
	s8 =	simm.s32 @!p0 $0x1BF5;
	p2 =	por !p2, p0  }
0x20: {  	[sflag:s8] =	ssyncset.s32 @!p0 $0xFFFFF086;
	s6 =	sadd.s32 @!p0 s3, s7;
	s7 =	simm.s32 @!p0 $0x108  }
0x21: {  	s3 =	sadd.s32 s3, s9;
	s6 =	sadd.s32 @!p0 $0x88, s6;
	s7 =	simm.s32 @p2 $0x1082  }
0x22: {  	[simem:s7], [sflag:s8] =	dma.local @!p0 [hbm:s6], $0xF7A  }
0x23: {  	s9 =	sor.u32 $0xD0000000, s2;
	s6 =	simm.s32 $0x108;
	_ =	swait.ge @!p0 [sflag:s8], $0x0  }
0x24: {  	s3 =	sadd.s32 $0x88, s3;
	s6 =	simm.s32 @!p1 $0x1082;
	[sflag:s4] =	ssyncset.s32 $0xFFFFF086  }
0x25: {  	[simem:s6], [sflag:s4] =	dma.local [hbm:s3], $0xF7A  }
0x26: {  	[smem:$0x3F9D] =	sst s1;
	(tag) =	ssettag s2;
	_ =	strace s9  }
0x27: {  	s1 =	sld [smem:$0x3FAD]  }
0x28: {  	s2 =	sld [smem:$0x3FAE]  }
0x29: {  	s4 =	sld [smem:$0x3FB0]  }
0x2a: {  	p0 =	seq.s32 s5, $0x0;
	s5 =	sld [smem:$0x3FB1]  }
0x2b: {  	s6 =	sld [smem:$0x3FB2]  }
0x2c: {  	s7 =	sld [smem:$0x3FB3]  }
0x2d: {  	s3 =	simm.s32 $0x108;
	s8 =	sld [smem:$0x3FB4]  }
0x2e: {  	s3 =	simm.s32 @!p0 $0x1082;
	s9 =	sld [smem:$0x3FB5]  }
0x2f: {  	lr =	sadd.s32 s0, s3;
	s0 =	sld [smem:$0x3FAC]  }
0x30: {  	s3 =	sld [smem:$0x3FAF]  }
0x31: {  	[smem:$0x3FB8] =	sst s10  }
0x32: {  	s10 =	sld [smem:$0x3FB6];
	_ =	sdelay $0x3  }
0x33: {  	p0 =	seq.s32 s10, $0x1;
	s10 =	sld [smem:$0x3FB8];
	_ =	sdelay $0x3  }
0x34: {  	[smem:$0x3FB8] =	sst s10  }
0x35: {  	s10 =	sld [smem:$0x3FB7];
	_ =	sdelay $0x3  }
0x36: {  	p1 =	seq.s32 s10, $0x1;
	s10 =	sld [smem:$0x3FB8];
	_ =	sdelay $0x3  }
0x37: {  	[smem:$0x3FB8] =	sst s10  }
0x38: {  	s10 =	sld [smem:$0x3FB9]  }
0x39: {  	_ = 	snop;
	(pc) =	sbr.ind lr, $3  }
0x3a: {  	_ = 	snop  }
0x3b: {  	_ = 	snop  }
0x3c: {  	p2 =	seq.s32 s10, $0x1;
	s10 =	sld [smem:$0x3FB8]  }
0x3d: {  	_ =	shalt  }
0x3e: {  	_ =	shalt  }
0x3f: {  	_ =	shalt  }
0x40: {  	_ =	shalt  }
0x41: {  	_ =	shalt  }
0x42: {  	_ =	shalt  }
0x43: {  	_ =	shalt  }
0x44: {  	_ =	shalt  }
0x45: {  	_ =	shalt  }
0x46: {  	_ =	shalt  }
0x47: {  	_ =	shalt  }
0x48: {  	_ =	shalt  }
0x49: {  	_ =	shalt  }
0x4a: {  	_ =	shalt  }
0x4b: {  	_ =	shalt  }
0x4c: {  	_ =	shalt  }
0x4d: {  	_ =	shalt  }
0x4e: {  	_ =	shalt  }
0x4f: {  	_ =	shalt  }
0x50: {  	_ =	shalt  }
0x51: {  	_ =	shalt  }
0x52: {  	_ =	shalt  }
0x53: {  	_ =	shalt  }
0x54: {  	_ =	shalt  }
0x55: {  	_ =	shalt  }
0x56: {  	_ =	shalt  }
0x57: {  	_ =	shalt  }
0x58: {  	_ =	shalt  }
0x59: {  	_ =	shalt  }
0x5a: {  	_ =	shalt  }
0x5b: {  	_ =	shalt  }
0x5c: {  	_ =	shalt  }
0x5d: {  	_ =	shalt  }
0x5e: {  	_ =	shalt  }
0x5f: {  	_ =	shalt  }
0x60: {  	_ =	shalt  }
0x61: {  	_ =	shalt  }
0x62: {  	_ =	shalt  }
0x63: {  	_ =	shalt  }
0x64: {  	_ =	shalt  }
0x65: {  	_ =	shalt  }
0x66: {  	_ =	shalt  }
0x67: {  	_ =	shalt  }
0x68: {  	_ =	shalt  }
0x69: {  	_ =	shalt  }
0x6a: {  	_ =	shalt  }
0x6b: {  	_ =	shalt  }
0x6c: {  	_ =	shalt  }
0x6d: {  	_ =	shalt  }
0x6e: {  	_ =	shalt  }
0x6f: {  	_ =	shalt  }
0x70: {  	_ =	shalt  }
0x71: {  	_ =	shalt  }
0x72: {  	_ =	shalt  }
0x73: {  	_ =	shalt  }
0x74: {  	_ =	shalt  }
0x75: {  	_ =	shalt  }
0x76: {  	_ =	shalt  }
0x77: {  	_ =	shalt  }
0x78: {  	_ =	shalt  }
0x79: {  	_ =	shalt  }
0x7a: {  	_ =	shalt  }
0x7b: {  	_ =	shalt  }
0x7c: {  	_ =	shalt  }
0x7d: {  	_ =	shalt  }
0x7e: {  	_ =	shalt  }
0x7f: {  	_ =	shalt  }
0x80: {  	_ =	shalt  }
0x81: {  	_ =	shalt  }
0x82: {  	_ =	shalt  }
0x83: {  	_ =	shalt  }
0x84: {  	_ =	shalt  }
0x85: {  	_ =	shalt  }
0x86: {  	_ =	shalt  }
0x87: {  	_ =	shalt  }
.Lfunc_end0:
.L_simem_size_0:
called_computation.2_lowered:
.L_overlay_start_0:
0x88: {  	s2 =	sld [smem:$0x3FD9]  }
0x89: {  	s3 =	sld [smem:$0x3FFE];
	_ =	sdelay $0x1  }
0x8a: {  	s1 =	srdreg.scid  }
0x8b: {  	s0 =	sand.u32 $0x1, s1  }
0x8c: {  	s17 =	sshll.u32 s0, $0xA;
	s2 =	sadd.s32 s3, s2  }
0x8d: {  	s2 =	sadd.s32 s2, s17  }
0x8e: {  	[smem:$0x3FC4] =	sst s2  }
0x8f: {  	_ = 	snop  }
0x90: {  	s2 =	sld [smem:$0x3FD0];
	(tm) =	ssettm $0x1  }
0x91: {  	s18 =	sld [smem:$0x3FFB];
	_ =	sdelay $0x3  }
0x92: {  	_ =	strace s18  }
0x93: {  	s3 =	sld [smem:$0x3FFC];
	_ =	sdelay $0x3  }
0x94: {  	_ =	strace s3  }
0x95: {  	s3 =	sld [smem:$0x3FFD];
	_ =	sdelay $0x3  }
0x96: {  	_ =	strace s3  }
0x97: {  	_ =	strace $0x8FFFFFFF  }
0x98: {  	s19 =	sld [smem:$0x3FDB];
	_ =	sdelay $0x1  }
0x99: {  	s4 =	simm.s32 $_scs_section_size  }
0x9a: {  	s5 =	simm.s32 $_size__tile_overlayer_lowered;
	s6 =	simm.s32 $_tile_overlayer_lowered  }
0x9b: {  	s22 =	simm.s32 $0x1BFF;
	s21 =	sshll.u32 s6, $0x1;
	s3 =	sadd.s32 s4, s19  }
0x9c: {  	s7 =	simm.s32 $0x0;
	s20 =	sshll.u32 s5, $0x1;
	s5 =	sadd.s32 s21, s3  }
0x9d: {  	[timem:s7], [sflag:s22] =	dma.local [hbm:s5], s20  }
0x9e: {  	_ =	swait.ge [sflag:s22], s20  }
0x9f: {  	s4 =	ssub.s32 $0x0, s20;
	[sflag:s22] =	ssyncset.done $0x0  }
0xa0: {  	[sflag:s22] =	ssyncadd.s32 s4;
	_ =	sdelay $0x1  }
0xa1: {  	s23 =	simm.s32 $0x1B8B  }
0xa2: {  	_ =	swait.ge [sflag:s23], $0x1  }
0xa3: {  	[sflag:s23] =	ssyncset.done $0x0  }
0xa4: {  	s25 =	simm.s32 $0x1B8E;
	s24 =	sld [smem:$0x3FFE];
	[sflag:s23] =	ssyncadd.s32 $0xFFFFFFFF  }
0xa5: {  	s26 =	simm.s32 $execute0_lowered;
	[smem:$0x3FD2] =	sst s25  }
0xa6: {  	s5 =	sshll.u32 s26, $0x1;
	_ =	strace $0x8000004C;
	[dreg:$0x1] =	wrdreg $0xFFFFFFFF  }
0xa7: {  	s28 =	simm.s32 $_size_execute0_lowered;
	s3 =	sadd.s32 s3, s5;
	[dreg:$0x0] =	wrdreg $0x0  }
0xa8: {  	s5 =	sshll.u32 s28, $0x1;
	[dreg:$0x2] =	wrdreg s3  }
0xa9: {  	[dreg:$0x3] =	wrdreg s5  }
0xaa: {  	[dreg:$0x4] =	wrdreg $0xC0  }
0xab: {  	_ =	task [dreg:s7], $0x5FFFF  }
0xac: {  	[dreg:$0x1] =	wrdreg $0xFFFFFFFF  }
0xad: {  	[dreg:$0x0] =	wrdreg $0x60  }
0xae: {  	[dreg:$0x2] =	wrdreg s2  }
0xaf: {  	[dreg:$0x3] =	wrdreg s24  }
0xb0: {  	[dreg:$0x4] =	wrdreg $0x90800  }
0xb1: {  	[dreg:$0x5] =	wrdreg $0x130800  }
0xb2: {  	[dreg:$0x6] =	wrdreg $0x9  }
0xb3: {  	_ =	task.clear_ibuf [dreg:s7], $0x7FFFF;
	_ =	strace $0x9000004C  }
0xb4: {  	s29 =	simm.s32 $0x9;
	_ =	strace $0x8000004E  }
0xb5: {  	_ =	swait.ge [sflag:s29], $0x1  }
0xb6: {  	[sflag:s29] =	ssyncadd.s32 $0xFFFFFFFF  }
0xb7: {  	_ =	strace $0x9000004E  }
0xb8: {  	_ =	sfence  }
0xb9: {  	s30 =	sld [smem:$0x0];
	_ =	sdelay $0x2  }
0xba: {  	s31 =	sshll.u32 s1, $0xD;
	s1 =	sshrl.u32 s1, $0x2  }
0xbb: {  	s3 =	sand.u32 $0x4000, s31;
	s1 =	sadd.s32 s1, s30  }
0xbc: {  	s0 =	sor.u32 s3, s0;
	s1 =	sshll.u32 s1, $0x11  }
0xbd: {  	s0 =	sor.u32 s1, s0  }
0xbe: {  	s0 =	sadd.s32 $0x8F2B, s0  }
0xbf: {  	[sflag:s0] =	ssyncadd.remote.s32 $0x1  }
0xc0: {  	_ =	sfence.sel $0xFFFF  }
0xc1: {  	[dreg:$0x0] =	wrdreg $0xFFFFFFFF;
	(pc) =	sbr.abs _section_cstart, $3  }
0xc2: {  	[dreg:$0x1] =	wrdreg $0xFFFFFFFF  }
0xc3: {  	_ =	task.clear_ibuf [dreg:s7], $0x2FFFF;
	_ =	strace $0x9FFFFFFF  }
0xc4: {  	(tm) =	ssettm $0x7FFFFFFF  }
0xc5: {  	_ =	shalt  }
tec
execute0_lowered:
.L_overlay_start_1:
0x0: {  	(tag) =	ssettag $0x1  }
0x1: {  	s1 =	rddreg [dreg:$0x0]  }
0x2: {  	s0 =	rddreg [dreg:$0x1]  }
0x3: {  	s3 =	rddreg [dreg:$0x2];
	s19 =	stileid.u32  }
0x4: {  	s2 =	srdreg.scid;
	s4 =	rddreg [dreg:$0x3]  }
0x5: {  	s5 =	simm.s32 $0x0;
	s24 =	simm.s32 $0x2;
	s11 =	smul.u32 $0xA000, s19  }
0x6: {  	s25 =	simm.s32 $0x80;
	s26 =	simm.s32 $0x7080;
	s22 =	smul.u32 $0xA00, s19  }
0x7: {  	s28 =	simm.s32 $0x1;
	s31 =	simm.s32 $0x5000;
	s17 =	smul.u32 $0x5000, s19  }
0x8: {  	s2 =	sand.u32 $0x1, s2;
	[smem:$0x7FF] =	sst s5;
	s21 =	smul.u32 $0x500, s19  }
0x9: {  	s23 =	sadd.s32 $0x2200, s0;
	s6 =	smul.u32 $0xA0000, s2;
	s7 =	ssub.s32 $0x2, s2  }
0xa: {  	_ =	strace $0x8000004D;
	s16 =	sadd.s32 s22, s0;
	s29 =	sshrl.u32 s7, $0x1  }
0xb: {  	s12 =	sadd.s32 $0x2000, s11;
	s13 =	sadd.s32 $0x4000, s11;
	s14 =	sadd.s32 $0x6000, s11  }
0xc: {  	s15 =	sadd.s32 $0x8000, s11;
	s17 =	sshrl.u32 s17, $0x3;
	s21 =	sor.u32 s2, s21  }
0xd: {  	s22 =	sadd.s32 s22, s23;
	s6 =	sadd.s32 s11, s6;
	s20 =	ssub.s32 s7, s29  }
0xe: {  	s30 =	sadd.s32 s12, s3;
	s8 =	sadd.s32 s13, s3;
	s9 =	sadd.s32 s14, s3  }
0xf: {  	s10 =	sadd.s32 s15, s3;
	s12 =	sadd.s32 s12, s4;
	s13 =	sadd.s32 s13, s4  }
0x10: {  	s14 =	sadd.s32 s14, s4;
	s15 =	sadd.s32 s15, s4;
	s18 =	sadd.s32 s23, s17  }
0x11: {  	s16 =	sadd.s32 $0xCC00, s16;
	s23 =	simm.s32 $0x5080;
	s6 =	sshrl.u32 s6, $0x3  }
0x12: {  	[dreg:$0x5] =	wrdreg s30;
	s17 =	sadd.s32 $0x9E0, s18;
	s18 =	sadd.s32 $0x9F0, s18  }
0x13: {  	v1 =	vlaneseq.u32;
	s20 =	smax.u32 s20, $0x1;
	s0 =	sadd.s32 s6, s0;
	s6 =	sadd.s32 s11, s3  }
0x14: {  	v0 =	vimm.f32 $0.0e+00;
	v1 =	vmul.u32 $0x2, v1;
	s11 =	sadd.s32 s11, s4;
	s19 =	sadd.s32 $0x16C00, s0;
	s0 =	simm.s32 $0x0  }
.LBB2_1:
0x15: {  	s30 =	simm.s32 $0x100;
	s29 =	simm.s32 $0x0  }
.LBB2_2:
0x16: {  	p0 =	sne.s32 s30, $0x7F00;
	[tilespmem:s29+$0x50B0] =	vst v0;
	s2 =	smov.u32 s30;
	s30 =	sadd.s32 $0x100, s30  }
.Ltmp0:
0x17: {  	[tilespmem:s29+$0x50A0] =	vst v0;
	(pc) =	sbr.rel @p0 .LBB2_2-.Ltmp0, $3  }
0x18: {  	[tilespmem:s29+$0x5080] =	vst v0  }
0x19: {  	[tilespmem:s29+$0x5090] =	vst v0;
	_ =	sdelay $0x1  }
0x1a: {  	s29 =	sshra.s32 s2, $0x2  }
0x1b: {  	[tilespmem:s29+$0x50B0] =	vst v0  }
0x1c: {  	[tilespmem:s29+$0x50A0] =	vst v0  }
0x1d: {  	[tilespmem:s29+$0x5080] =	vst v0  }
0x1e: {  	[tilespmem:s29+$0x5090] =	vst v0  }
0x1f: {  	[spmem:s6] =	stream.linear.scatter [tilespmem:s23], [sflag:$0x2], $0x2000, $0x38;
	[tilespmem:$0x1D080] =	vst v63  }
0x20: {  	_ =	swait.ge [sflag:s24], $0x2000  }
0x21: {  	[sflag:s24] =	ssyncset.done $0x0  }
0x22: {  	s2 =	rddreg [dreg:$0x5];
	[sflag:s24] =	ssyncadd.s32 $0xFFFFE000  }
0x23: {  	[spmem:s2] =	stream.linear.scatter [tilespmem:s23], [sflag:$0x2], $0x2000, $0x38;
	[tilespmem:$0x1D080] =	vst v63  }
0x24: {  	_ =	swait.ge [sflag:s24], $0x2000  }
0x25: {  	[sflag:s24] =	ssyncset.done $0x0  }
0x26: {  	[sflag:s24] =	ssyncadd.s32 $0xFFFFE000  }
0x27: {  	[spmem:s8] =	stream.linear.scatter [tilespmem:s23], [sflag:$0x2], $0x2000, $0x38;
	[tilespmem:$0x1D080] =	vst v63  }
0x28: {  	_ =	swait.ge [sflag:s24], $0x2000  }
0x29: {  	[sflag:s24] =	ssyncset.done $0x0  }
0x2a: {  	[sflag:s24] =	ssyncadd.s32 $0xFFFFE000  }
0x2b: {  	[spmem:s9] =	stream.linear.scatter [tilespmem:s23], [sflag:$0x2], $0x2000, $0x38;
	[tilespmem:$0x1D080] =	vst v63  }
0x2c: {  	_ =	swait.ge [sflag:s24], $0x2000  }
0x2d: {  	[sflag:s24] =	ssyncset.done $0x0  }
0x2e: {  	[sflag:s24] =	ssyncadd.s32 $0xFFFFE000  }
0x2f: {  	[spmem:s10] =	stream.linear.scatter [tilespmem:s23], [sflag:$0x2], $0x2000, $0x38;
	[tilespmem:$0x1D080] =	vst v63  }
0x30: {  	_ =	swait.ge [sflag:s24], $0x2000  }
0x31: {  	s29 =	simm.s32 $0x40;
	[sflag:s24] =	ssyncset.done $0x0  }
0x32: {  	v2 =	vor.u32 s21, v1;
	s30 =	smov.u32 s21;
	s2 =	simm.s32 $0x0;
	[sflag:s24] =	ssyncadd.s32 $0xFFFFE000  }
.LBB2_4:
0x33: {  	p0 =	sne.s32 s29, $0x9C0  }
0x34: {  	[tilespmem:s2+$0x0] =	vst v2;
	s30 =	sadd.s32 $0x20, s30;
	s2 =	smov.u32 s29;
	s29 =	sadd.s32 $0x40, s29  }
.Ltmp1:
0x35: {  	(pc) =	sbr.rel @p0 .LBB2_4-.Ltmp1, $2  }
0x36: {  	_ =	sdelay $0x2  }
0x37: {  	v2 =	vor.u32 s30, v1;
	s2 =	sshra.s32 s2, $0x2  }
0x38: {  	[tilespmem:s2+$0x0] =	vst v2;
	s2 =	simm.s32 $0x0  }
0x39: {  	[tilespmem:s26], [sflag:$0x1] =	stream.indirect.gather [hbm4b:s1+s25], $0x40, s2, s25, $0xb8;
	[tilespmem:$0x1D080] =	vst v63  }
0x3a: {  	_ =	swait.ge [sflag:s28], $0x2000  }
0x3b: {  	[sflag:s28] =	ssyncset.done $0x0  }
0x3c: {  	[sflag:s28] =	ssyncadd.s32 $0xFFFFE000  }
0x3d: {  	[spmem:s11] =	stream.linear.scatter [tilespmem:s26], [sflag:$0x2], $0x2000, $0x38;
	[tilespmem:$0x1D080] =	vst v63  }
0x3e: {  	_ =	swait.ge [sflag:s24], $0x2000  }
0x3f: {  	[sflag:s24] =	ssyncset.done $0x0  }
0x40: {  	[sflag:s24] =	ssyncadd.s32 $0xFFFFE000  }
0x41: {  	[tilespmem:s26], [sflag:$0x1] =	stream.indirect.gather [hbm4b:s1+s25], $0x40, s25, s25, $0xb8;
	[tilespmem:$0x1D080] =	vst v63  }
0x42: {  	_ =	swait.ge [sflag:s28], $0x2000  }
0x43: {  	[sflag:s28] =	ssyncset.done $0x0  }
0x44: {  	[sflag:s28] =	ssyncadd.s32 $0xFFFFE000  }
0x45: {  	[spmem:s12] =	stream.linear.scatter [tilespmem:s26], [sflag:$0x2], $0x2000, $0x38;
	[tilespmem:$0x1D080] =	vst v63  }
0x46: {  	_ =	swait.ge [sflag:s24], $0x2000  }
0x47: {  	[sflag:s24] =	ssyncset.done $0x0  }
0x48: {  	s29 =	simm.s32 $0x100;
	[sflag:s24] =	ssyncadd.s32 $0xFFFFE000  }
0x49: {  	[tilespmem:s26], [sflag:$0x1] =	stream.indirect.gather [hbm4b:s1+s25], $0x40, s29, s25, $0xb8;
	[tilespmem:$0x1D080] =	vst v63  }
0x4a: {  	_ =	swait.ge [sflag:s28], $0x2000  }
0x4b: {  	[sflag:s28] =	ssyncset.done $0x0  }
0x4c: {  	[sflag:s28] =	ssyncadd.s32 $0xFFFFE000  }
0x4d: {  	[spmem:s13] =	stream.linear.scatter [tilespmem:s26], [sflag:$0x2], $0x2000, $0x38;
	[tilespmem:$0x1D080] =	vst v63  }
0x4e: {  	_ =	swait.ge [sflag:s24], $0x2000  }
0x4f: {  	[sflag:s24] =	ssyncset.done $0x0  }
0x50: {  	s7 =	simm.s32 $0x180;
	[sflag:s24] =	ssyncadd.s32 $0xFFFFE000  }
0x51: {  	[tilespmem:s26], [sflag:$0x1] =	stream.indirect.gather [hbm4b:s1+s25], $0x40, s7, s25, $0xb8;
	[tilespmem:$0x1D080] =	vst v63  }
0x52: {  	_ =	swait.ge [sflag:s28], $0x2000  }
0x53: {  	[sflag:s28] =	ssyncset.done $0x0  }
0x54: {  	[sflag:s28] =	ssyncadd.s32 $0xFFFFE000  }
0x55: {  	[spmem:s14] =	stream.linear.scatter [tilespmem:s26], [sflag:$0x2], $0x2000, $0x38;
	[tilespmem:$0x1D080] =	vst v63  }
0x56: {  	_ =	swait.ge [sflag:s24], $0x2000  }
0x57: {  	[sflag:s24] =	ssyncset.done $0x0  }
0x58: {  	s7 =	simm.s32 $0x200;
	[sflag:s24] =	ssyncadd.s32 $0xFFFFE000  }
0x59: {  	[tilespmem:s26], [sflag:$0x1] =	stream.indirect.gather [hbm4b:s1+s25], $0x40, s7, s25, $0xb8;
	[tilespmem:$0x1D080] =	vst v63  }
0x5a: {  	_ =	swait.ge [sflag:s28], $0x2000  }
0x5b: {  	[sflag:s28] =	ssyncset.done $0x0  }
0x5c: {  	[sflag:s28] =	ssyncadd.s32 $0xFFFFE000  }
0x5d: {  	[spmem:s15] =	stream.linear.scatter [tilespmem:s26], [sflag:$0x2], $0x2000, $0x38;
	[tilespmem:$0x1D080] =	vst v63  }
0x5e: {  	_ =	swait.ge [sflag:s24], $0x2000  }
0x5f: {  	[sflag:s24] =	ssyncset.done $0x0  }
0x60: {  	[sflag:s24] =	ssyncadd.s32 $0xFFFFE000  }
0x61: {  	[bflag:$0x0] =	sbarrier.arrive $0xFFFF  }
0x62: {  	[tilespmem:s2], [sflag:$0x2] =	stream.linear.gather [hbm4b:s16+s2], $0x5000, $0x38;
	[tilespmem:$0x1D080] =	vst v63  }
0x63: {  	_ =	swait.ge [sflag:s24], $0x5000  }
0x64: {  	[sflag:s24] =	ssyncset.done $0x0  }
0x65: {  	[sflag:s24] =	ssyncadd.s32 $0xFFFFB000  }
0x66: {  	[tilespmem:s23], [sflag:$0x1] =	stream.indirect.gather [spmem:s4], $0x40, s2, s25, $0xb8;
	[tilespmem:$0x1D080] =	vst v63  }
0x67: {  	_ =	swait.ge [sflag:s28], $0x2000  }
0x68: {  	[sflag:s28] =	ssyncset.done $0x0  }
0x69: {  	s7 =	simm.s32 $0x80;
	[sflag:s28] =	ssyncadd.s32 $0xFFFFE000  }
0x6a: {  	[tilespmem:s26], [sflag:$0x1] =	stream.indirect.gather [spmem:s4], $0x40, s7, s25, $0xb8;
	[tilespmem:$0x1D080] =	vst v63  }
0x6b: {  	s7 =	sadd.s32 $0x0, s22  }
0x6c: {  	[tilespmem:s31], [sflag:$0x2] =	stream.linear.gather [hbm4b:s7+s5], $0x80, $0x38;
	[tilespmem:$0x1D080] =	vst v63  }
0x6d: {  	_ =	swait.ge [sflag:s24], $0x80  }
0x6e: {  	[sflag:s24] =	ssyncset.done $0x0  }
0x6f: {  	[sflag:s24] =	ssyncadd.s32 $0xFFFFFF80  }
0x70: {  	[spmem:s3] =	stream.indirect.scatter.add.f32 [tilespmem:s23], [sflag:$0x2], $0x40, s31, s25, $0xb8;
	[tilespmem:$0x1D080] =	vst v63  }
0x71: {  	_ =	swait.ge [sflag:s24], $0x2000  }
0x72: {  	[sflag:s24] =	ssyncset.done $0x0  }
0x73: {  	[sflag:s24] =	ssyncadd.s32 $0xFFFFE000  }
0x74: {  	_ =	swait.ge [sflag:s28], $0x2000  }
0x75: {  	[sflag:s28] =	ssyncset.done $0x0  }
0x76: {  	[sflag:s28] =	ssyncadd.s32 $0xFFFFE000  }
0x77: {  	[tilespmem:s23], [sflag:$0x1] =	stream.indirect.gather [spmem:s4], $0x40, s29, s25, $0xb8;
	[tilespmem:$0x1D080] =	vst v63  }
0x78: {  	s2 =	sadd.s32 $0x10, s7  }
0x79: {  	[tilespmem:s31], [sflag:$0x2] =	stream.linear.gather [hbm4b:s2+s5], $0x80, $0x38;
	[tilespmem:$0x1D080] =	vst v63  }
0x7a: {  	_ =	swait.ge [sflag:s24], $0x80  }
0x7b: {  	[sflag:s24] =	ssyncset.done $0x0  }
0x7c: {  	[sflag:s24] =	ssyncadd.s32 $0xFFFFFF80  }
0x7d: {  	[spmem:s3] =	stream.indirect.scatter.add.f32 [tilespmem:s26], [sflag:$0x2], $0x40, s31, s25, $0xb8;
	[tilespmem:$0x1D080] =	vst v63  }
0x7e: {  	_ =	swait.ge [sflag:s24], $0x2000  }
0x7f: {  	s30 =	simm.s32 $0x20;
	[sflag:s24] =	ssyncset.done $0x0  }
.LBB2_6:
0x80: {  	p0 =	sne.s32 s30, $0x9C0;
	[sflag:s24] =	ssyncadd.s32 $0xFFFFE000;
	s29 =	sadd.s32 $0x100, s29  }
0x81: {  	s2 =	smov.u32 s30;
	s30 =	sadd.s32 $0x20, s30;
	_ =	swait.ge [sflag:s28], $0x2000  }
0x82: {  	[sflag:s28] =	ssyncset.done $0x0  }
0x83: {  	s7 =	sadd.s32 $0xFFFFFF80, s29;
	[sflag:s28] =	ssyncadd.s32 $0xFFFFE000  }
0x84: {  	[tilespmem:s26], [sflag:$0x1] =	stream.indirect.gather [spmem:s4], $0x40, s7, s25, $0xb8;
	[tilespmem:$0x1D080] =	vst v63  }
0x85: {  	s2 =	sadd.s32 s2, s22  }
0x86: {  	[tilespmem:s31], [sflag:$0x2] =	stream.linear.gather [hbm4b:s2+s5], $0x80, $0x38;
	[tilespmem:$0x1D080] =	vst v63  }
0x87: {  	_ =	swait.ge [sflag:s24], $0x80  }
0x88: {  	[sflag:s24] =	ssyncset.done $0x0  }
0x89: {  	[sflag:s24] =	ssyncadd.s32 $0xFFFFFF80  }
0x8a: {  	[spmem:s3] =	stream.indirect.scatter.add.f32 [tilespmem:s23], [sflag:$0x2], $0x40, s31, s25, $0xb8;
	[tilespmem:$0x1D080] =	vst v63  }
0x8b: {  	_ =	swait.ge [sflag:s24], $0x2000  }
0x8c: {  	[sflag:s24] =	ssyncset.done $0x0  }
0x8d: {  	[sflag:s24] =	ssyncadd.s32 $0xFFFFE000  }
0x8e: {  	_ =	swait.ge [sflag:s28], $0x2000  }
0x8f: {  	[sflag:s28] =	ssyncset.done $0x0  }
0x90: {  	[sflag:s28] =	ssyncadd.s32 $0xFFFFE000  }
0x91: {  	[tilespmem:s23], [sflag:$0x1] =	stream.indirect.gather [spmem:s4], $0x40, s29, s25, $0xb8;
	[tilespmem:$0x1D080] =	vst v63  }
0x92: {  	s2 =	sadd.s32 $0x10, s2  }
0x93: {  	[tilespmem:s31], [sflag:$0x2] =	stream.linear.gather [hbm4b:s2+s5], $0x80, $0x38;
	[tilespmem:$0x1D080] =	vst v63  }
0x94: {  	_ =	swait.ge [sflag:s24], $0x80  }
.Ltmp2:
0x95: {  	[sflag:s24] =	ssyncset.done $0x0;
	(pc) =	sbr.rel @p0 .LBB2_6-.Ltmp2, $4  }
0x96: {  	[sflag:s24] =	ssyncadd.s32 $0xFFFFFF80  }
0x97: {  	[spmem:s3] =	stream.indirect.scatter.add.f32 [tilespmem:s26], [sflag:$0x2], $0x40, s31, s25, $0xb8;
	[tilespmem:$0x1D080] =	vst v63  }
0x98: {  	_ =	swait.ge [sflag:s24], $0x2000  }
0x99: {  	[sflag:s24] =	ssyncset.done $0x0  }
0x9a: {  	[sflag:s24] =	ssyncadd.s32 $0xFFFFE000  }
0x9b: {  	_ =	swait.ge [sflag:s28], $0x2000  }
0x9c: {  	[sflag:s28] =	ssyncset.done $0x0  }
0x9d: {  	s2 =	simm.s32 $0x4F80;
	[sflag:s28] =	ssyncadd.s32 $0xFFFFE000  }
0x9e: {  	[tilespmem:s26], [sflag:$0x1] =	stream.indirect.gather [spmem:s4], $0x40, s2, s25, $0xb8;
	[tilespmem:$0x1D080] =	vst v63  }
0x9f: {  	_ = 	snop  }
0xa0: {  	[tilespmem:s31], [sflag:$0x2] =	stream.linear.gather [hbm4b:s17+s5], $0x80, $0x38;
	[tilespmem:$0x1D080] =	vst v63  }
0xa1: {  	_ =	swait.ge [sflag:s24], $0x80  }
0xa2: {  	[sflag:s24] =	ssyncset.done $0x0  }
0xa3: {  	[sflag:s24] =	ssyncadd.s32 $0xFFFFFF80  }
0xa4: {  	[spmem:s3] =	stream.indirect.scatter.add.f32 [tilespmem:s23], [sflag:$0x2], $0x40, s31, s25, $0xb8;
	[tilespmem:$0x1D080] =	vst v63  }
0xa5: {  	_ =	swait.ge [sflag:s24], $0x2000  }
0xa6: {  	[sflag:s24] =	ssyncset.done $0x0  }
0xa7: {  	[sflag:s24] =	ssyncadd.s32 $0xFFFFE000  }
0xa8: {  	_ =	swait.ge [sflag:s28], $0x2000  }
0xa9: {  	[sflag:s28] =	ssyncset.done $0x0  }
0xaa: {  	[sflag:s28] =	ssyncadd.s32 $0xFFFFE000  }
0xab: {  	[tilespmem:s31], [sflag:$0x2] =	stream.linear.gather [hbm4b:s18+s5], $0x80, $0x38;
	[tilespmem:$0x1D080] =	vst v63  }
0xac: {  	_ =	swait.ge [sflag:s24], $0x80  }
0xad: {  	[sflag:s24] =	ssyncset.done $0x0  }
0xae: {  	[sflag:s24] =	ssyncadd.s32 $0xFFFFFF80  }
0xaf: {  	[spmem:s3] =	stream.indirect.scatter.add.f32 [tilespmem:s26], [sflag:$0x2], $0x40, s31, s25, $0xb8;
	[tilespmem:$0x1D080] =	vst v63  }
0xb0: {  	s30 =	stileid.u32;
	_ =	swait.ge [sflag:s24], $0x2000  }
0xb1: {  	s7 =	sshrl.u32 s6, $0x3;
	s0 =	sadd.s32 $0x1, s0;
	[sflag:s24] =	ssyncset.done $0x0  }
0xb2: {  	p0 =	sne.s32 s0, s20;
	s2 =	sshll.u32 s30, $0x6;
	[sflag:s24] =	ssyncadd.s32 $0xFFFFE000  }
.Ltmp3:
0xb3: {  	s2 =	sor.u32 $0x1C02, s2;
	[bflag:$0x0] =	sbarrier.arrive $0xFFFF;
	(pc) =	sbr.rel @p0 .LBB2_1-.Ltmp3, $4  }
0xb4: {  	[hbm:s19], [sflag:s2] =	dma.local [spmem:s7], $0x1400  }
0xb5: {  	_ =	swait.ge [sflag:s24], $0x1400  }
0xb6: {  	[sflag:s24] =	ssyncset.done $0x0  }
0xb7: {  	[sflag:s24] =	ssyncadd.s32 $0xFFFFEC00  }
0xb8: {  	_ =	sfence.sel $0x180000  }
0xb9: {  	[bflag:$0x0] =	sbarrier.arrive $0xFFFF  }
0xba: {  	_ =	strace $0x9000004D  }
0xbb: {  	s0 =	stileid.u32;
	[bflag:$0x2] =	sbarrier.arrive $0xFFFF  }
0xbc: {  	p0 =	sne.s32 s0, $0x0;
	s0 =	rddreg [dreg:$0x4]  }
0xbd: {  	s0 =	sadd.s32 @!p0 $0x100000, s0  }
0xbe: {  	[sflag:s0] =	ssyncadd.tile.s32 @!p0 $0x1;
	_ =	shalt  }
.Lfunc_end2:
_tile_overlayer_lowered:
.L_overlay_start_2:
0xbf: {  	(tag) =	ssettag $0x2  }
0xc0: {  	s0 =	rddreg [dreg:$0x0];
	s2 =	stileid.u32  }
0xc1: {  	s1 =	rddreg [dreg:$0x1];
	p0 =	sne.s32 s2, $0x0  }
0xc2: {  	s3 =	rddreg [dreg:$0x2];
	[bflag:$0x3] =	sbarrier.arrive $0xFFFF;
	s2 =	simm.s32 @!p0 $0x1C02  }
0xc3: {  	[timem:s3], [sflag:s2] =	dma.local @!p0 [hbm:s0], s1  }
0xc4: {  	s0 =	simm.s32 @!p0 $0x2  }
0xc5: {  	_ =	swait.ge @!p0 [sflag:s0], s1  }
0xc6: {  	s1 =	ssub.s32 @!p0 $0x0, s1;
	[sflag:s0] =	ssyncset.done @!p0 $0x0  }
0xc7: {  	[sflag:s0] =	ssyncadd.s32 @!p0 s1  }
0xc8: {  	[bflag:$0x3] =	sbarrier.arrive $0xFFFF  }
0xc9: {  	_ =	shalt  }

// kernel: kernel.8.cloned.1.call-start
scs
__scs_entry_jumppad:
0x0: {  	(pc) =	sbr.rel $0x88, $3  }
0x1: {  	(tag) =	ssettag $0x0;
	lr =	simm.s32 $0x1  }
0x2: {  	[smem:$0x3F9D] =	sst lr;
	_ =	strace $0xD0000000  }
0x3: {  	_ = 	snop  }
0x4: {  	_ = 	snop  }
0x5: {  	_ = 	snop  }
0x6: {  	_ = 	snop  }
0x7: {  	_ = 	snop  }
__scs_overlays_trampoline_lowered:
0x8: {  	[smem:$0x3FAC] =	sst s0  }
0x9: {  	[smem:$0x3FAD] =	sst s1  }
0xa: {  	[smem:$0x3FAE] =	sst s2  }
0xb: {  	[smem:$0x3FAF] =	sst s3  }
0xc: {  	[smem:$0x3FB0] =	sst s4  }
0xd: {  	[smem:$0x3FB1] =	sst s5  }
0xe: {  	[smem:$0x3FB2] =	sst s6  }
0xf: {  	[smem:$0x3FB3] =	sst s7  }
0x10: {  	[smem:$0x3FB4] =	sst s8  }
0x11: {  	[smem:$0x3FB5] =	sst s9;
	s0 =	simm.s32 @!p0 $0x0  }
0x12: {  	s1 =	sld [smem:$0x3F9B];
	s0 =	simm.s32 @p0 $0x1  }
0x13: {  	[smem:$0x3FB6] =	sst s0;
	s0 =	simm.s32 @!p1 $0x0  }
0x14: {  	s2 =	sld [smem:$0x3F9A];
	s0 =	simm.s32 @p1 $0x1  }
0x15: {  	[smem:$0x3FB7] =	sst s0;
	s0 =	simm.s32 @!p2 $0x0  }
0x16: {  	s3 =	sld [smem:$0x3FDB];
	s0 =	simm.s32 @p2 $0x1  }
0x17: {  	s4 =	simm.s32 $0x1BF5;
	[smem:$0x3FB9] =	sst s0  }
0x18: {  	s0 =	sld [smem:$0x3F9C];
	_ =	swait.ge [sflag:s4], $0x0  }
0x19: {  	s7 =	sld [smem:$0x3F9D]  }
0x1a: {  	s8 =	sadd.s32 $0xFFFFE003, lr  }
0x1b: {  	s9 =	sadd.s32 $0xFFFFFEF7, lr;
	s5 =	simm.s32 $0xFFFFFFFF;
	p2 =	slt.u32 s8, $0xFFFFF086  }
0x1c: {  	p1 =	slt.u32 s9, $0xF7A;
	s5 =	simm.s32 @!p2 $0x0  }
0x1d: {  	s5 =	simm.s32 @p1 $0x1;
	p0 =	seq.s32 s7, s2  }
0x1e: {  	s7 =	smul.u32 @!p0 $0xF7A, s2;
	p2 =	seq.s32 @!p0 s5, $0x0  }
0x1f: {  	s9 =	smul.u32 $0xF7A, s1;
	s8 =	simm.s32 @!p0 $0x1BF5;
	p2 =	por !p2, p0  }
0x20: {  	[sflag:s8] =	ssyncset.s32 @!p0 $0xFFFFF086;
	s6 =	sadd.s32 @!p0 s3, s7;
	s7 =	simm.s32 @!p0 $0x108  }
0x21: {  	s3 =	sadd.s32 s3, s9;
	s6 =	sadd.s32 @!p0 $0x88, s6;
	s7 =	simm.s32 @p2 $0x1082  }
0x22: {  	[simem:s7], [sflag:s8] =	dma.local @!p0 [hbm:s6], $0xF7A  }
0x23: {  	s9 =	sor.u32 $0xD0000000, s2;
	s6 =	simm.s32 $0x108;
	_ =	swait.ge @!p0 [sflag:s8], $0x0  }
0x24: {  	s3 =	sadd.s32 $0x88, s3;
	s6 =	simm.s32 @!p1 $0x1082;
	[sflag:s4] =	ssyncset.s32 $0xFFFFF086  }
0x25: {  	[simem:s6], [sflag:s4] =	dma.local [hbm:s3], $0xF7A  }
0x26: {  	[smem:$0x3F9D] =	sst s1;
	(tag) =	ssettag s2;
	_ =	strace s9  }
0x27: {  	s1 =	sld [smem:$0x3FAD]  }
0x28: {  	s2 =	sld [smem:$0x3FAE]  }
0x29: {  	s4 =	sld [smem:$0x3FB0]  }
0x2a: {  	p0 =	seq.s32 s5, $0x0;
	s5 =	sld [smem:$0x3FB1]  }
0x2b: {  	s6 =	sld [smem:$0x3FB2]  }
0x2c: {  	s7 =	sld [smem:$0x3FB3]  }
0x2d: {  	s3 =	simm.s32 $0x108;
	s8 =	sld [smem:$0x3FB4]  }
0x2e: {  	s3 =	simm.s32 @!p0 $0x1082;
	s9 =	sld [smem:$0x3FB5]  }
0x2f: {  	lr =	sadd.s32 s0, s3;
	s0 =	sld [smem:$0x3FAC]  }
0x30: {  	s3 =	sld [smem:$0x3FAF]  }
0x31: {  	[smem:$0x3FB8] =	sst s10  }
0x32: {  	s10 =	sld [smem:$0x3FB6];
	_ =	sdelay $0x3  }
0x33: {  	p0 =	seq.s32 s10, $0x1;
	s10 =	sld [smem:$0x3FB8];
	_ =	sdelay $0x3  }
0x34: {  	[smem:$0x3FB8] =	sst s10  }
0x35: {  	s10 =	sld [smem:$0x3FB7];
	_ =	sdelay $0x3  }
0x36: {  	p1 =	seq.s32 s10, $0x1;
	s10 =	sld [smem:$0x3FB8];
	_ =	sdelay $0x3  }
0x37: {  	[smem:$0x3FB8] =	sst s10  }
0x38: {  	s10 =	sld [smem:$0x3FB9]  }
0x39: {  	_ = 	snop;
	(pc) =	sbr.ind lr, $3  }
0x3a: {  	_ = 	snop  }
0x3b: {  	_ = 	snop  }
0x3c: {  	p2 =	seq.s32 s10, $0x1;
	s10 =	sld [smem:$0x3FB8]  }
0x3d: {  	_ =	shalt  }
0x3e: {  	_ =	shalt  }
0x3f: {  	_ =	shalt  }
0x40: {  	_ =	shalt  }
0x41: {  	_ =	shalt  }
0x42: {  	_ =	shalt  }
0x43: {  	_ =	shalt  }
0x44: {  	_ =	shalt  }
0x45: {  	_ =	shalt  }
0x46: {  	_ =	shalt  }
0x47: {  	_ =	shalt  }
0x48: {  	_ =	shalt  }
0x49: {  	_ =	shalt  }
0x4a: {  	_ =	shalt  }
0x4b: {  	_ =	shalt  }
0x4c: {  	_ =	shalt  }
0x4d: {  	_ =	shalt  }
0x4e: {  	_ =	shalt  }
0x4f: {  	_ =	shalt  }
0x50: {  	_ =	shalt  }
0x51: {  	_ =	shalt  }
0x52: {  	_ =	shalt  }
0x53: {  	_ =	shalt  }
0x54: {  	_ =	shalt  }
0x55: {  	_ =	shalt  }
0x56: {  	_ =	shalt  }
0x57: {  	_ =	shalt  }
0x58: {  	_ =	shalt  }
0x59: {  	_ =	shalt  }
0x5a: {  	_ =	shalt  }
0x5b: {  	_ =	shalt  }
0x5c: {  	_ =	shalt  }
0x5d: {  	_ =	shalt  }
0x5e: {  	_ =	shalt  }
0x5f: {  	_ =	shalt  }
0x60: {  	_ =	shalt  }
0x61: {  	_ =	shalt  }
0x62: {  	_ =	shalt  }
0x63: {  	_ =	shalt  }
0x64: {  	_ =	shalt  }
0x65: {  	_ =	shalt  }
0x66: {  	_ =	shalt  }
0x67: {  	_ =	shalt  }
0x68: {  	_ =	shalt  }
0x69: {  	_ =	shalt  }
0x6a: {  	_ =	shalt  }
0x6b: {  	_ =	shalt  }
0x6c: {  	_ =	shalt  }
0x6d: {  	_ =	shalt  }
0x6e: {  	_ =	shalt  }
0x6f: {  	_ =	shalt  }
0x70: {  	_ =	shalt  }
0x71: {  	_ =	shalt  }
0x72: {  	_ =	shalt  }
0x73: {  	_ =	shalt  }
0x74: {  	_ =	shalt  }
0x75: {  	_ =	shalt  }
0x76: {  	_ =	shalt  }
0x77: {  	_ =	shalt  }
0x78: {  	_ =	shalt  }
0x79: {  	_ =	shalt  }
0x7a: {  	_ =	shalt  }
0x7b: {  	_ =	shalt  }
0x7c: {  	_ =	shalt  }
0x7d: {  	_ =	shalt  }
0x7e: {  	_ =	shalt  }
0x7f: {  	_ =	shalt  }
0x80: {  	_ =	shalt  }
0x81: {  	_ =	shalt  }
0x82: {  	_ =	shalt  }
0x83: {  	_ =	shalt  }
0x84: {  	_ =	shalt  }
0x85: {  	_ =	shalt  }
0x86: {  	_ =	shalt  }
0x87: {  	_ =	shalt  }
.Lfunc_end0:
.L_simem_size_0:
called_computation_lowered:
.L_overlay_start_0:
0x88: {  	s2 =	sld [smem:$0x3FD9]  }
0x89: {  	s3 =	sld [smem:$0x3FFE];
	_ =	sdelay $0x1  }
0x8a: {  	s1 =	srdreg.scid  }
0x8b: {  	s0 =	sand.u32 $0x1, s1  }
0x8c: {  	s17 =	sshll.u32 s0, $0xA;
	s2 =	sadd.s32 s3, s2  }
0x8d: {  	s2 =	sadd.s32 s2, s17  }
0x8e: {  	[smem:$0x3FC4] =	sst s2  }
0x8f: {  	_ = 	snop  }
0x90: {  	s2 =	sld [smem:$0x3FD0];
	(tm) =	ssettm $0x1  }
0x91: {  	s18 =	sld [smem:$0x3FFB];
	_ =	sdelay $0x3  }
0x92: {  	_ =	strace s18  }
0x93: {  	s3 =	sld [smem:$0x3FFC];
	_ =	sdelay $0x3  }
0x94: {  	_ =	strace s3  }
0x95: {  	s3 =	sld [smem:$0x3FFD];
	_ =	sdelay $0x3  }
0x96: {  	_ =	strace s3  }
0x97: {  	_ =	strace $0x8FFFFFFF  }
0x98: {  	s19 =	sld [smem:$0x3FDB];
	_ =	sdelay $0x1  }
0x99: {  	s4 =	simm.s32 $_scs_section_size  }
0x9a: {  	s5 =	simm.s32 $_size__tile_overlayer_lowered;
	s6 =	simm.s32 $_tile_overlayer_lowered  }
0x9b: {  	s22 =	simm.s32 $0x1BFF;
	s21 =	sshll.u32 s6, $0x1;
	s3 =	sadd.s32 s4, s19  }
0x9c: {  	s7 =	simm.s32 $0x0;
	s20 =	sshll.u32 s5, $0x1;
	s5 =	sadd.s32 s21, s3  }
0x9d: {  	[timem:s7], [sflag:s22] =	dma.local [hbm:s5], s20  }
0x9e: {  	_ =	swait.ge [sflag:s22], s20  }
0x9f: {  	s4 =	ssub.s32 $0x0, s20;
	[sflag:s22] =	ssyncset.done $0x0  }
0xa0: {  	[sflag:s22] =	ssyncadd.s32 s4;
	_ =	sdelay $0x1  }
0xa1: {  	s23 =	simm.s32 $0x1B8B  }
0xa2: {  	_ =	swait.ge [sflag:s23], $0x1  }
0xa3: {  	[sflag:s23] =	ssyncset.done $0x0  }
0xa4: {  	s25 =	simm.s32 $0x1B8E;
	s24 =	sld [smem:$0x3FFE];
	[sflag:s23] =	ssyncadd.s32 $0xFFFFFFFF  }
0xa5: {  	s26 =	simm.s32 $execute0_lowered;
	[smem:$0x3FD2] =	sst s25  }
0xa6: {  	s5 =	sshll.u32 s26, $0x1;
	_ =	strace $0x80000046;
	[dreg:$0x1] =	wrdreg $0xFFFFFFFF  }
0xa7: {  	s28 =	simm.s32 $_size_execute0_lowered;
	s3 =	sadd.s32 s3, s5;
	[dreg:$0x0] =	wrdreg $0x0  }
0xa8: {  	s5 =	sshll.u32 s28, $0x1;
	[dreg:$0x2] =	wrdreg s3  }
0xa9: {  	[dreg:$0x3] =	wrdreg s5  }
0xaa: {  	[dreg:$0x4] =	wrdreg $0xC0  }
0xab: {  	_ =	task [dreg:s7], $0x5FFFF  }
0xac: {  	[dreg:$0x1] =	wrdreg $0xFFFFFFFF  }
0xad: {  	[dreg:$0x0] =	wrdreg $0x60  }
0xae: {  	[dreg:$0x2] =	wrdreg s2  }
0xaf: {  	[dreg:$0x3] =	wrdreg s24  }
0xb0: {  	[dreg:$0x4] =	wrdreg $0x2B000  }
0xb1: {  	[dreg:$0x5] =	wrdreg $0x9  }
0xb2: {  	_ =	task.clear_ibuf [dreg:s7], $0x6FFFF;
	_ =	strace $0x90000046  }
0xb3: {  	s29 =	simm.s32 $0x9;
	_ =	strace $0x80000048  }
0xb4: {  	_ =	swait.ge [sflag:s29], $0x1  }
0xb5: {  	[sflag:s29] =	ssyncadd.s32 $0xFFFFFFFF  }
0xb6: {  	_ =	strace $0x90000048  }
0xb7: {  	_ =	sfence  }
0xb8: {  	s30 =	sld [smem:$0x0];
	_ =	sdelay $0x2  }
0xb9: {  	s31 =	sshll.u32 s1, $0xD;
	s1 =	sshrl.u32 s1, $0x2  }
0xba: {  	s3 =	sand.u32 $0x4000, s31;
	s1 =	sadd.s32 s1, s30  }
0xbb: {  	s0 =	sor.u32 s3, s0;
	s1 =	sshll.u32 s1, $0x11  }
0xbc: {  	s0 =	sor.u32 s1, s0  }
0xbd: {  	s0 =	sadd.s32 $0x8F2B, s0  }
0xbe: {  	[sflag:s0] =	ssyncadd.remote.s32 $0x1  }
0xbf: {  	_ =	sfence.sel $0xFFFF  }
0xc0: {  	[dreg:$0x0] =	wrdreg $0xFFFFFFFF;
	(pc) =	sbr.abs _section_cstart, $3  }
0xc1: {  	[dreg:$0x1] =	wrdreg $0xFFFFFFFF  }
0xc2: {  	_ =	task.clear_ibuf [dreg:s7], $0x2FFFF;
	_ =	strace $0x9FFFFFFF  }
0xc3: {  	(tm) =	ssettm $0x7FFFFFFF  }
tec
execute0_lowered:
.L_overlay_start_1:
0x0: {  	(tag) =	ssettag $0x1  }
0x1: {  	s5 =	rddreg [dreg:$0x0]  }
0x2: {  	s4 =	rddreg [dreg:$0x1]  }
0x3: {  	s2 =	rddreg [dreg:$0x2]  }
0x4: {  	s0 =	rddreg [dreg:$0x3]  }
0x5: {  	s3 =	simm.s32 $0x0;
	s6 =	srdreg.scid;
	s1 =	stileid.u32  }
0x6: {  	s11 =	simm.s32 $0x2800;
	s14 =	simm.s32 $0x20;
	s15 =	simm.s32 $0x10  }
0x7: {  	s16 =	simm.s32 $0x0;
	[smem:$0x7FF] =	sst s3;
	s7 =	smul.u32 $0x500, s1  }
0x8: {  	s6 =	sand.u32 $0x1, s6;
	s9 =	sshll.u32 s1, $0x1;
	s30 =	smul.u32 $0xA00, s1  }
0x9: {  	s12 =	sshll.u32 s1, $0x6;
	_ =	strace $0x80000047;
	s8 =	sshll.u32 s6, $0x7  }
0xa: {  	s29 =	sor.u32 s6, s9;
	s6 =	ssub.s32 $0x2, s6;
	s12 =	sor.u32 $0x1C01, s12  }
0xb: {  	s7 =	sor.u32 s8, s7;
	s8 =	smul.u32 $0x500, s29;
	s31 =	sshrl.u32 s6, $0x1  }
0xc: {  	s9 =	sshrl.u32 s30, $0x2;
	s7 =	sshrl.u32 s7, $0x3;
	s10 =	ssub.s32 s6, s31  }
0xd: {  	s7 =	sadd.s32 s7, s4;
	s4 =	sadd.s32 s9, s2;
	s5 =	sadd.s32 s5, s8  }
0xe: {  	s8 =	simm.s32 $0x2880;
	s9 =	simm.s32 $0x1;
	s6 =	sadd.s32 $0xC200, s7  }
0xf: {  	v0 =	vimm.f32 $1.000000000e+00;
	v1 =	vimm.f32 $0.0e+00;
	s7 =	smax.u32 s10, $0x1;
	s10 =	simm.s32 $0x80;
	s13 =	sshrl.u32 s4, $0x3  }
.LBB2_1:
0x10: {  	[tilespmem:$0x2800] =	vst v0  }
0x11: {  	[tilespmem:$0x2810] =	vst v0  }
0x12: {  	[tilespmem:$0x2820] =	vst v0  }
0x13: {  	[tilespmem:$0x2830] =	vst v0  }
0x14: {  	[tilespmem:$0x2840] =	vst v0  }
0x15: {  	[tilespmem:$0x2850] =	vst v0  }
0x16: {  	[tilespmem:$0x2860] =	vst v0  }
0x17: {  	[tilespmem:$0x2870] =	vst v0  }
0x18: {  	[tilespmem:$0x2880] =	vst v1  }
0x19: {  	[tilespmem:$0x2890] =	vst v1  }
0x1a: {  	[tilespmem:$0x28A0] =	vst v1  }
0x1b: {  	[tilespmem:$0x28B0] =	vst v1  }
0x1c: {  	[tilespmem:$0x28C0] =	vst v1  }
0x1d: {  	[tilespmem:$0x28D0] =	vst v1  }
0x1e: {  	[tilespmem:$0x28E0] =	vst v1  }
0x1f: {  	[tilespmem:$0x28F0] =	vst v1  }
0x20: {  	[tilespmem:$0x2900] =	vst v1  }
0x21: {  	[tilespmem:$0x2910] =	vst v1  }
0x22: {  	[tilespmem:$0x2920] =	vst v1  }
0x23: {  	[tilespmem:$0x2930] =	vst v1  }
0x24: {  	[tilespmem:$0x2940] =	vst v1  }
0x25: {  	[tilespmem:$0x2950] =	vst v1  }
0x26: {  	[tilespmem:$0x2960] =	vst v1  }
0x27: {  	[tilespmem:$0x2970] =	vst v1  }
0x28: {  	[tilespmem:$0x2980] =	vst v1  }
0x29: {  	[tilespmem:$0x2990] =	vst v1  }
0x2a: {  	[tilespmem:$0x29A0] =	vst v1  }
0x2b: {  	[tilespmem:$0x29B0] =	vst v1  }
0x2c: {  	[tilespmem:$0x29C0] =	vst v1  }
0x2d: {  	[tilespmem:$0x29D0] =	vst v1  }
0x2e: {  	[tilespmem:$0x29E0] =	vst v1  }
0x2f: {  	[tilespmem:$0x29F0] =	vst v1  }
0x30: {  	[tilespmem:$0x2A00] =	vst v1  }
0x31: {  	[tilespmem:$0x2A10] =	vst v1  }
0x32: {  	[tilespmem:$0x2A20] =	vst v1  }
0x33: {  	[tilespmem:$0x2A30] =	vst v1  }
0x34: {  	[tilespmem:$0x2A40] =	vst v1  }
0x35: {  	[tilespmem:$0x2A50] =	vst v1  }
0x36: {  	[tilespmem:$0x2A60] =	vst v1  }
0x37: {  	[tilespmem:$0x2A70] =	vst v1  }
0x38: {  	[tilespmem:$0x2A80] =	vst v1  }
0x39: {  	[tilespmem:$0x2A90] =	vst v1  }
0x3a: {  	[tilespmem:$0x2AA0] =	vst v1  }
0x3b: {  	[tilespmem:$0x2AB0] =	vst v1  }
0x3c: {  	[tilespmem:$0x2AC0] =	vst v1  }
0x3d: {  	[tilespmem:$0x2AD0] =	vst v1  }
0x3e: {  	[tilespmem:$0x2AE0] =	vst v1  }
0x3f: {  	[tilespmem:$0x2AF0] =	vst v1  }
0x40: {  	[spmem:s4] =	stream.linear.scatter [tilespmem:s8], [sflag:$0x1], $0x280, $0x38;
	[tilespmem:$0x2D80] =	vst v63  }
0x41: {  	_ =	swait.ge [sflag:s9], $0x280  }
0x42: {  	[sflag:s9] =	ssyncset.done $0x0  }
0x43: {  	[sflag:s9] =	ssyncadd.s32 $0xFFFFFD80  }
0x44: {  	[tilespmem:s3], [sflag:$0x1] =	stream.linear.gather [hbm4b:s5+s3], $0x2800, $0x38;
	[tilespmem:$0x2D80] =	vst v63  }
0x45: {  	_ =	swait.ge [sflag:s9], $0x2800  }
0x46: {  	[sflag:s9] =	ssyncset.done $0x0  }
0x47: {  	[sflag:s9] =	ssyncadd.s32 $0xFFFFD800  }
0x48: {  	s17 =	simm.s32 $0x0;
	[bflag:$0x0] =	sbarrier.arrive $0xFFFF  }
0x49: {  	[spmem:s2] =	stream.indirect.scatter.add.f32 [tilespmem:s11], [sflag:$0x1], $0x1, s17, s10, $0xb8;
	[tilespmem:$0x2D80] =	vst v63  }
0x4a: {  	_ =	swait.ge [sflag:s9], $0x80  }
0x4b: {  	s17 =	simm.s32 $0x200;
	[sflag:s9] =	ssyncset.done $0x0  }
.LBB2_2:
0x4c: {  	s18 =	sshra.s32 s17, $0x2;
	[sflag:s9] =	ssyncadd.s32 $0xFFFFFF80;
	p0 =	sne.s32 s17, $0x9E00  }
0x4d: {  	[spmem:s2] =	stream.indirect.scatter.add.f32 [tilespmem:s11], [sflag:$0x1], $0x1, s18, s10, $0xb8;
	[tilespmem:$0x2D80] =	vst v63  }
.Ltmp0:
0x4e: {  	_ = 	snop;
	(pc) =	sbr.rel @p0 .LBB2_2-.Ltmp0, $4  }
0x4f: {  	_ = 	snop  }
0x50: {  	s17 =	sadd.s32 $0x200, s17  }
0x51: {  	_ =	swait.ge [sflag:s9], $0x80  }
0x52: {  	[sflag:s9] =	ssyncset.done $0x0  }
0x53: {  	s16 =	sadd.s32 $0x1, s16  }
0x54: {  	[sflag:s9] =	ssyncadd.s32 $0xFFFFFF80;
	p0 =	sne.s32 s16, s7  }
.Ltmp1:
0x55: {  	[bflag:$0x0] =	sbarrier.arrive $0xFFFF;
	(pc) =	sbr.rel @p0 .LBB2_1-.Ltmp1, $4  }
0x56: {  	[hbm:s6@s14], [sflag:s12] =	dma.strided [spmem:s13@s15], $0x50, s9, $0x10   }
0x57: {  	_ =	swait.ge [sflag:s9], $0x50  }
0x58: {  	[sflag:s9] =	ssyncset.done $0x0  }
0x59: {  	[sflag:s9] =	ssyncadd.s32 $0xFFFFFFB0  }
0x5a: {  	_ =	sfence.sel $0x180000  }
0x5b: {  	[bflag:$0x0] =	sbarrier.arrive $0xFFFF  }
0x5c: {  	p0 =	sne.s32 s1, $0x0;
	_ =	strace $0x90000047  }
0x5d: {  	s0 =	sadd.s32 @!p0 $0x100000, s0;
	[bflag:$0x2] =	sbarrier.arrive $0xFFFF  }
0x5e: {  	[sflag:s0] =	ssyncadd.tile.s32 @!p0 $0x1;
	_ =	shalt  }
.Lfunc_end2:
_tile_overlayer_lowered:
.L_overlay_start_2:
0x5f: {  	(tag) =	ssettag $0x2  }
0x60: {  	s0 =	rddreg [dreg:$0x0];
	s2 =	stileid.u32  }
0x61: {  	s1 =	rddreg [dreg:$0x1];
	p0 =	sne.s32 s2, $0x0  }
0x62: {  	s3 =	rddreg [dreg:$0x2];
	[bflag:$0x3] =	sbarrier.arrive $0xFFFF;
	s2 =	simm.s32 @!p0 $0x1C01  }
0x63: {  	[timem:s3], [sflag:s2] =	dma.local @!p0 [hbm:s0], s1  }
0x64: {  	s0 =	simm.s32 @!p0 $0x1  }
0x65: {  	_ =	swait.ge @!p0 [sflag:s0], s1  }
0x66: {  	s1 =	ssub.s32 @!p0 $0x0, s1;
	[sflag:s0] =	ssyncset.done @!p0 $0x0  }
0x67: {  	[sflag:s0] =	ssyncadd.s32 @!p0 s1  }
0x68: {  	[bflag:$0x3] =	sbarrier.arrive $0xFFFF  }
0x69: {  	_ =	shalt  }

</sc_bundles>
